<compile_context>
chip_gen: v7x
topology: tpu7x:2x2x1
jax: 0.10.2.dev20260603
libtpu: 0.0.44.dev20260713+nightly
codegen_flags: <defaults>
</compile_context>

<pallas_src>
import functools

import jax
import jax.numpy as jnp
from jax import lax
from jax.experimental import pallas as pl
from jax.experimental.pallas import tpu as pltpu
from jax.experimental.pallas import tpu_sc as plsc


@functools.lru_cache(maxsize=None)
def _make_line_gather(batch: int, hist: int, dim: int):
    info = plsc.get_sparse_core_info()
    nc, ns = info.num_cores, info.num_subcores
    nw = nc * ns
    r_per_w = batch // nw
    assert r_per_w * nw == batch
    nr = 8
    while r_per_w % (2 * nr):
        nr //= 2
    n_chunks = r_per_w // nr
    n_outer = n_chunks // 2
    line = 2 * dim

    mesh = plsc.VectorSubcoreMesh(core_axis_name="c", subcore_axis_name="s")

    @functools.partial(
        pl.kernel,
        mesh=mesh,
        out_type=jax.ShapeDtypeStruct((batch, hist, line), jnp.float32),
        scratch_types=[
            pltpu.VMEM((r_per_w, hist), jnp.int32),
            pltpu.VMEM((2, nr, hist, line), jnp.float32),
            pltpu.SemaphoreType.DMA,
            pltpu.SemaphoreType.DMA,
        ],
        compiler_params=pltpu.CompilerParams(use_tc_tiling_on_sc=True),
    )
    def line_gather(idx_hbm, table_hbm, out_hbm, idx_v, rows_v, sem0, sem1):
        wid = lax.axis_index("s") * nc + lax.axis_index("c")
        base = wid * r_per_w
        sems = (sem0, sem1)

        pltpu.sync_copy(idx_hbm.at[pl.ds(base, r_per_w)], idx_v)

        def fire(c, b):
            def one_row(r, carry):
                pltpu.async_copy(
                    table_hbm.at[idx_v.at[c * nr + r, :]],
                    rows_v.at[b, r],
                    sems[b],
                )
                return carry

            lax.fori_loop(0, nr, one_row, 0)

        def drain(c, b):
            def one_row(r, carry):
                pltpu.make_async_copy(
                    table_hbm.at[idx_v.at[c * nr + r, :]],
                    rows_v.at[b, r],
                    sems[b],
                ).wait()
                return carry

            lax.fori_loop(0, nr, one_row, 0)
            pltpu.sync_copy(
                rows_v.at[b], out_hbm.at[pl.ds(base + c * nr, nr)]
            )

        fire(0, 0)

        def body(step, carry):
            c0 = step * 2
            fire(c0 + 1, 1)
            drain(c0, 0)

            @pl.when(step < n_outer - 1)
            def _():
                fire(c0 + 2, 0)

            drain(c0 + 1, 1)
            return carry

        lax.fori_loop(0, n_outer, body, 0)

    return line_gather


def _extract_block(lines_ref, idx_ref, out_ref):
    dim = out_ref.shape[2]
    lines = lines_ref[...]
    parf = (idx_ref[...] & 1).astype(jnp.float32)
    lo = lines[:, :, :dim]
    hi = lines[:, :, dim:]
    out_ref[...] = lo + (hi - lo) * parf[:, :, None]


@functools.lru_cache(maxsize=None)
def _make_extract(batch: int, hist: int, dim: int):
    bb = 128
    line = 2 * dim
    return pl.pallas_call(
        _extract_block,
        grid=(batch // bb,),
        in_specs=[
            pl.BlockSpec((bb, hist, line), lambda i: (i, 0, 0)),
            pl.BlockSpec((bb, hist), lambda i: (i, 0)),
        ],
        out_specs=pl.BlockSpec((bb, hist, dim), lambda i: (i, 0, 0)),
        out_shape=jax.ShapeDtypeStruct((batch, hist, dim), jnp.float32),
    )


def kernel(input, weight):
    b, h = input.shape
    dim = weight.shape[1]
    idx = input.astype(jnp.int32)
    lines = _make_line_gather(b, h, dim)(
        idx >> 1, weight.reshape(weight.shape[0] // 2, 2 * dim)
    )
    return _make_extract(b, h, dim)(lines, idx)

# --- scband reference (transcript-rebuilt; emitter-appended) ---
"""Pipeline reference for scband-int-embedding-28329604284745 (READ-ONLY COPY).

The authoritative reference and input builder live on the scoring server;
editing this copy changes nothing except your own understanding.
"""

import jax, jax.numpy as jnp
import numpy as np

NUM_EMBEDDINGS = 1000000
EMBEDDING_DIM = 64
BATCH = 16384
HIST = 20

def setup_inputs(seed: int = 0) -> dict:
    key = jax.random.key(seed)
    k1, k2 = jax.random.split(key)
    input_ids = jax.random.randint(k1, (BATCH, HIST), 0, NUM_EMBEDDINGS, dtype=jnp.int64 if jax.config.read('jax_enable_x64') else jnp.int32)
    weight = jax.random.normal(k2, (NUM_EMBEDDINGS, EMBEDDING_DIM), dtype=jnp.float32)
    return {"input": input_ids, "weight": weight}

def reference(input, weight):
    # IntEmbedding in eval mode (self.training=False): plain F.embedding lookup.
    # padding_idx=None, max_norm=None, so this is a pure gather.
    return jnp.take(weight, input, axis=0)

if __name__ == "__main__":
    import jax
    _d = setup_inputs()
    print(jax.jit(kernel)(*tuple(_d.values())))

</pallas_src>

<mosaic_0001>
#map = affine_map<(d0, d1) -> (0, 0)>
#map1 = affine_map<(d0, d1) -> (0, 0, 0)>
module attributes {stable_mosaic.version = 14 : i64} {
  func.func @line_gather(%arg0: i32, %arg1: i32, %arg2: memref<16384x20xi32, #tpu.memory_space<hbm>>, %arg3: memref<500000x128xf32, #tpu.memory_space<hbm>>, %arg4: memref<16384x20x128xf32, #tpu.memory_space<hbm>>, %arg5: memref<512x20xi32, #tpu.memory_space<vmem>>, %arg6: memref<2x8x20x128xf32, #tpu.memory_space<vmem>>, %arg7: memref<!tpu.dma_semaphore, #tpu.memory_space<semaphore_mem>>, %arg8: memref<!tpu.dma_semaphore, #tpu.memory_space<semaphore_mem>>) attributes {dimension_semantics = [#tpu.dimension_semantics<core_parallel>, #tpu.dimension_semantics<subcore_parallel>], iteration_bounds = array<i64: 2, 16>, scalar_prefetch = 0 : i64, scratch_operands = 4 : i64, tpu.core_type = #tpu.core_type<sc_vector_subcore>, window_params = [{transform_indices = #map}, {transform_indices = #map}, {transform_indices = #map1}]} {
    %mul3A = arith.constant 2 : i32
    %mul3A_0 = arith.muli %arg1, %mul3A : i32
    %add3A = arith.addi %mul3A_0, %arg0 : i32
    %mul3A_1 = arith.constant 512 : i32
    %mul3A_2 = arith.muli %add3A, %mul3A_1 : i32
    "tpu.region"() ({
      %run_scoped3A = tpu.sem_alloc : memref<!tpu.dma_semaphore, #tpu.memory_space<semaphore_mem>>
      %dma_start3A = arith.constant 0 : i32
      %dma_start3A_14 = tpu.memref_slice %arg2[%mul3A_2, %dma_start3A] : memref<16384x20xi32, #tpu.memory_space<hbm>> -> memref<512x20xi32, #tpu.memory_space<hbm>>
      %dma_start3A_15 = arith.constant 0 : i32
      %dma_start3A_16 = tpu.memref_slice %arg2[%mul3A_2, %dma_start3A_15] : memref<16384x20xi32, #tpu.memory_space<hbm>> -> memref<512x20xi32, #tpu.memory_space<hbm>>
      tpu.enqueue_dma source(%dma_start3A_16 : memref<512x20xi32, #tpu.memory_space<hbm>>) target(%arg5 : memref<512x20xi32, #tpu.memory_space<vmem>>) target_semaphore(%run_scoped3A : memref<!tpu.dma_semaphore, #tpu.memory_space<semaphore_mem>>)
      %dma_wait3A = arith.constant 0 : i32
      %dma_wait3A_17 = tpu.memref_slice %arg2[%mul3A_2, %dma_wait3A] : memref<16384x20xi32, #tpu.memory_space<hbm>> -> memref<512x20xi32, #tpu.memory_space<hbm>>
      %dma_wait3A_18 = arith.constant 0 : i32
      %dma_wait3A_19 = tpu.memref_slice %arg2[%mul3A_2, %dma_wait3A_18] : memref<16384x20xi32, #tpu.memory_space<hbm>> -> memref<512x20xi32, #tpu.memory_space<hbm>>
      tpu.wait_dma2 semaphore(%run_scoped3A : memref<!tpu.dma_semaphore, #tpu.memory_space<semaphore_mem>>) src(%dma_wait3A_19 : memref<512x20xi32, #tpu.memory_space<hbm>>) dst(%arg5 : memref<512x20xi32, #tpu.memory_space<vmem>>)
      tpu.yield
    }) : () -> ()
    %scan3A = arith.constant 0 : i32
    %scan3A_3 = arith.constant 0 : i32
    %scan3A_4 = arith.constant 8 : i32
    %scan3A_5 = arith.addi %scan3A_3, %scan3A_4 : i32
    %scan3A_6 = arith.constant 1 : i32
    scf.for %scan3A_14 = %scan3A_3 to %scan3A_5 step %scan3A_6  : i32 {
      %add3A_15 = arith.constant 0 : i32
      %add3A_16 = arith.addi %add3A_15, %scan3A_14 : i32
      %dma_start3A = arith.constant 0 : i32
      %dma_start3A_17 = arith.constant 0 : i32
      %dma_start3A_18 = arith.constant 0 : i32
      %dma_start3A_19 = tpu.memref_slice %arg6[%dma_start3A, %scan3A_14, %dma_start3A_17, %dma_start3A_18] : memref<2x8x20x128xf32, #tpu.memory_space<vmem>> -> memref<1x1x20x128xf32, #tpu.memory_space<vmem>>
      %dma_start3A_20 = tpu.memref_squeeze %dma_start3A_19 : memref<1x1x20x128xf32, #tpu.memory_space<vmem>> -> memref<20x128xf32, #tpu.memory_space<vmem>>
      %dma_start3A_21 = arith.constant 0 : i32
      %dma_start3A_22 = tpu.memref_slice %arg5[%add3A_16, %dma_start3A_21] : memref<512x20xi32, #tpu.memory_space<vmem>> -> memref<1x20xi32, #tpu.memory_space<vmem>>
      %dma_start3A_23 = tpu.memref_squeeze %dma_start3A_22 : memref<1x20xi32, #tpu.memory_space<vmem>> -> memref<20xi32, #tpu.memory_space<vmem>>
      %dma_start3A_24 = arith.constant 0 : i32
      %dma_start3A_25 = arith.constant 0 : i32
      %dma_start3A_26 = tpu.memref_slice %arg3[%dma_start3A_24, %dma_start3A_25] : memref<500000x128xf32, #tpu.memory_space<hbm>> -> memref<500000x128xf32, #tpu.memory_space<hbm>>
      tpu.enqueue_indirect_dma source(%dma_start3A_26 : memref<500000x128xf32, #tpu.memory_space<hbm>>) target(%dma_start3A_20 : memref<20x128xf32, #tpu.memory_space<vmem>>) offsets(%dma_start3A_23 : memref<20xi32, #tpu.memory_space<vmem>>) semaphore(%arg7 : memref<!tpu.dma_semaphore, #tpu.memory_space<semaphore_mem>>)
    }
    %scan3A_7 = arith.constant 8 : i32
    %scan3A_8 = arith.constant 0 : i32
    %scan3A_9 = arith.constant 0 : i32
    %scan3A_10 = arith.constant 32 : i32
    %scan3A_11 = arith.addi %scan3A_9, %scan3A_10 : i32
    %scan3A_12 = arith.constant 1 : i32
    scf.for %scan3A_14 = %scan3A_9 to %scan3A_11 step %scan3A_12  : i32 {
      %mul3A_15 = arith.constant 2 : i32
      %mul3A_16 = arith.muli %scan3A_14, %mul3A_15 : i32
      %add3A_17 = arith.constant 1 : i32
      %add3A_18 = arith.addi %mul3A_16, %add3A_17 : i32
      %scan3A_19 = arith.constant 0 : i32
      %scan3A_20 = arith.constant 0 : i32
      %scan3A_21 = arith.constant 8 : i32
      %scan3A_22 = arith.addi %scan3A_20, %scan3A_21 : i32
      %scan3A_23 = arith.constant 1 : i32
      scf.for %scan3A_48 = %scan3A_20 to %scan3A_22 step %scan3A_23  : i32 {
        %mul3A_49 = arith.constant 8 : i32
        %mul3A_50 = arith.muli %add3A_18, %mul3A_49 : i32
        %add3A_51 = arith.addi %mul3A_50, %scan3A_48 : i32
        %dma_start3A = arith.constant 1 : i32
        %dma_start3A_52 = arith.constant 0 : i32
        %dma_start3A_53 = arith.constant 0 : i32
        %dma_start3A_54 = tpu.memref_slice %arg6[%dma_start3A, %scan3A_48, %dma_start3A_52, %dma_start3A_53] : memref<2x8x20x128xf32, #tpu.memory_space<vmem>> -> memref<1x1x20x128xf32, #tpu.memory_space<vmem>>
        %dma_start3A_55 = tpu.memref_squeeze %dma_start3A_54 : memref<1x1x20x128xf32, #tpu.memory_space<vmem>> -> memref<20x128xf32, #tpu.memory_space<vmem>>
        %dma_start3A_56 = arith.constant 0 : i32
        %dma_start3A_57 = tpu.memref_slice %arg5[%add3A_51, %dma_start3A_56] : memref<512x20xi32, #tpu.memory_space<vmem>> -> memref<1x20xi32, #tpu.memory_space<vmem>>
        %dma_start3A_58 = tpu.memref_squeeze %dma_start3A_57 : memref<1x20xi32, #tpu.memory_space<vmem>> -> memref<20xi32, #tpu.memory_space<vmem>>
        %dma_start3A_59 = arith.constant 0 : i32
        %dma_start3A_60 = arith.constant 0 : i32
        %dma_start3A_61 = tpu.memref_slice %arg3[%dma_start3A_59, %dma_start3A_60] : memref<500000x128xf32, #tpu.memory_space<hbm>> -> memref<500000x128xf32, #tpu.memory_space<hbm>>
        tpu.enqueue_indirect_dma source(%dma_start3A_61 : memref<500000x128xf32, #tpu.memory_space<hbm>>) target(%dma_start3A_55 : memref<20x128xf32, #tpu.memory_space<vmem>>) offsets(%dma_start3A_58 : memref<20xi32, #tpu.memory_space<vmem>>) semaphore(%arg8 : memref<!tpu.dma_semaphore, #tpu.memory_space<semaphore_mem>>)
      }
      %scan3A_24 = arith.constant 8 : i32
      %scan3A_25 = arith.constant 0 : i32
      %scan3A_26 = arith.constant 0 : i32
      %scan3A_27 = arith.constant 8 : i32
      %scan3A_28 = arith.addi %scan3A_26, %scan3A_27 : i32
      %scan3A_29 = arith.constant 1 : i32
      scf.for %scan3A_48 = %scan3A_26 to %scan3A_28 step %scan3A_29  : i32 {
        %mul3A_49 = arith.constant 8 : i32
        %mul3A_50 = arith.muli %mul3A_16, %mul3A_49 : i32
        %add3A_51 = arith.addi %mul3A_50, %scan3A_48 : i32
        %dma_wait3A = arith.constant 0 : i32
        %dma_wait3A_52 = arith.constant 0 : i32
        %dma_wait3A_53 = arith.constant 0 : i32
        %dma_wait3A_54 = tpu.memref_slice %arg6[%dma_wait3A, %scan3A_48, %dma_wait3A_52, %dma_wait3A_53] : memref<2x8x20x128xf32, #tpu.memory_space<vmem>> -> memref<1x1x20x128xf32, #tpu.memory_space<vmem>>
        %dma_wait3A_55 = tpu.memref_squeeze %dma_wait3A_54 : memref<1x1x20x128xf32, #tpu.memory_space<vmem>> -> memref<20x128xf32, #tpu.memory_space<vmem>>
        %dma_wait3A_56 = arith.constant 0 : i32
        %dma_wait3A_57 = tpu.memref_slice %arg5[%add3A_51, %dma_wait3A_56] : memref<512x20xi32, #tpu.memory_space<vmem>> -> memref<1x20xi32, #tpu.memory_space<vmem>>
        %dma_wait3A_58 = tpu.memref_squeeze %dma_wait3A_57 : memref<1x20xi32, #tpu.memory_space<vmem>> -> memref<20xi32, #tpu.memory_space<vmem>>
        %dma_wait3A_59 = arith.constant 0 : i32
        %dma_wait3A_60 = arith.constant 0 : i32
        %dma_wait3A_61 = tpu.memref_slice %arg3[%dma_wait3A_59, %dma_wait3A_60] : memref<500000x128xf32, #tpu.memory_space<hbm>> -> memref<500000x128xf32, #tpu.memory_space<hbm>>
        tpu.wait_indirect_dma semaphore(%arg7 : memref<!tpu.dma_semaphore, #tpu.memory_space<semaphore_mem>>) src(%dma_wait3A_61 : memref<500000x128xf32, #tpu.memory_space<hbm>>) dst(%dma_wait3A_55 : memref<20x128xf32, #tpu.memory_space<vmem>>)
      }
      %scan3A_30 = arith.constant 8 : i32
      %mul3A_31 = arith.constant 8 : i32
      %mul3A_32 = arith.muli %mul3A_16, %mul3A_31 : i32
      %add3A_33 = arith.addi %mul3A_2, %mul3A_32 : i32
      %run_scoped3A = arith.constant 0 : i32
      "tpu.region"() ({
        %run_scoped3A_48 = tpu.sem_alloc : memref<!tpu.dma_semaphore, #tpu.memory_space<semaphore_mem>>
        %dma_start3A = arith.constant 0 : i32
        %dma_start3A_49 = arith.constant 0 : i32
        %dma_start3A_50 = arith.constant 0 : i32
        %dma_start3A_51 = tpu.memref_slice %arg6[%run_scoped3A, %dma_start3A, %dma_start3A_49, %dma_start3A_50] : memref<2x8x20x128xf32, #tpu.memory_space<vmem>> -> memref<1x8x20x128xf32, #tpu.memory_space<vmem>>
        %dma_start3A_52 = tpu.memref_squeeze %dma_start3A_51 : memref<1x8x20x128xf32, #tpu.memory_space<vmem>> -> memref<8x20x128xf32, #tpu.memory_space<vmem>>
        %dma_start3A_53 = arith.constant 0 : i32
        %dma_start3A_54 = arith.constant 0 : i32
        %dma_start3A_55 = tpu.memref_slice %arg4[%add3A_33, %dma_start3A_53, %dma_start3A_54] : memref<16384x20x128xf32, #tpu.memory_space<hbm>> -> memref<8x20x128xf32, #tpu.memory_space<hbm>>
        %dma_start3A_56 = arith.constant 0 : i32
        %dma_start3A_57 = arith.constant 0 : i32
        %dma_start3A_58 = tpu.memref_slice %arg4[%add3A_33, %dma_start3A_56, %dma_start3A_57] : memref<16384x20x128xf32, #tpu.memory_space<hbm>> -> memref<8x20x128xf32, #tpu.memory_space<hbm>>
        %dma_start3A_59 = arith.constant 0 : i32
        %dma_start3A_60 = arith.constant 0 : i32
        %dma_start3A_61 = arith.constant 0 : i32
        %dma_start3A_62 = tpu.memref_slice %arg6[%run_scoped3A, %dma_start3A_59, %dma_start3A_60, %dma_start3A_61] : memref<2x8x20x128xf32, #tpu.memory_space<vmem>> -> memref<1x8x20x128xf32, #tpu.memory_space<vmem>>
        %dma_start3A_63 = tpu.memref_squeeze %dma_start3A_62 : memref<1x8x20x128xf32, #tpu.memory_space<vmem>> -> memref<8x20x128xf32, #tpu.memory_space<vmem>>
        tpu.enqueue_dma source(%dma_start3A_63 : memref<8x20x128xf32, #tpu.memory_space<vmem>>) target(%dma_start3A_58 : memref<8x20x128xf32, #tpu.memory_space<hbm>>) target_semaphore(%run_scoped3A_48 : memref<!tpu.dma_semaphore, #tpu.memory_space<semaphore_mem>>)
        %dma_wait3A = arith.constant 0 : i32
        %dma_wait3A_64 = arith.constant 0 : i32
        %dma_wait3A_65 = arith.constant 0 : i32
        %dma_wait3A_66 = tpu.memref_slice %arg6[%run_scoped3A, %dma_wait3A, %dma_wait3A_64, %dma_wait3A_65] : memref<2x8x20x128xf32, #tpu.memory_space<vmem>> -> memref<1x8x20x128xf32, #tpu.memory_space<vmem>>
        %dma_wait3A_67 = tpu.memref_squeeze %dma_wait3A_66 : memref<1x8x20x128xf32, #tpu.memory_space<vmem>> -> memref<8x20x128xf32, #tpu.memory_space<vmem>>
        %dma_wait3A_68 = arith.constant 0 : i32
        %dma_wait3A_69 = arith.constant 0 : i32
        %dma_wait3A_70 = tpu.memref_slice %arg4[%add3A_33, %dma_wait3A_68, %dma_wait3A_69] : memref<16384x20x128xf32, #tpu.memory_space<hbm>> -> memref<8x20x128xf32, #tpu.memory_space<hbm>>
        %dma_wait3A_71 = arith.constant 0 : i32
        %dma_wait3A_72 = arith.constant 0 : i32
        %dma_wait3A_73 = tpu.memref_slice %arg4[%add3A_33, %dma_wait3A_71, %dma_wait3A_72] : memref<16384x20x128xf32, #tpu.memory_space<hbm>> -> memref<8x20x128xf32, #tpu.memory_space<hbm>>
        %dma_wait3A_74 = arith.constant 0 : i32
        %dma_wait3A_75 = arith.constant 0 : i32
        %dma_wait3A_76 = arith.constant 0 : i32
        %dma_wait3A_77 = tpu.memref_slice %arg6[%run_scoped3A, %dma_wait3A_74, %dma_wait3A_75, %dma_wait3A_76] : memref<2x8x20x128xf32, #tpu.memory_space<vmem>> -> memref<1x8x20x128xf32, #tpu.memory_space<vmem>>
        %dma_wait3A_78 = tpu.memref_squeeze %dma_wait3A_77 : memref<1x8x20x128xf32, #tpu.memory_space<vmem>> -> memref<8x20x128xf32, #tpu.memory_space<vmem>>
        tpu.wait_dma2 semaphore(%run_scoped3A_48 : memref<!tpu.dma_semaphore, #tpu.memory_space<semaphore_mem>>) src(%dma_wait3A_78 : memref<8x20x128xf32, #tpu.memory_space<vmem>>) dst(%dma_wait3A_73 : memref<8x20x128xf32, #tpu.memory_space<hbm>>)
        tpu.yield
      }) : () -> ()
      %lt3A = arith.constant 31 : i32
      %lt3A_34 = arith.cmpi slt, %scan3A_14, %lt3A : i32
      %convert_element_type3A = arith.extui %lt3A_34 : i1 to i32
      %cond3A = arith.constant 0 : i32
      %cond3A_35 = arith.cmpi ne, %convert_element_type3A, %cond3A : i32
      scf.if %cond3A_35 {
        %add3A_48 = arith.constant 2 : i32
        %add3A_49 = arith.addi %mul3A_16, %add3A_48 : i32
        %scan3A_50 = arith.constant 0 : i32
        %scan3A_51 = arith.constant 0 : i32
        %scan3A_52 = arith.constant 8 : i32
        %scan3A_53 = arith.addi %scan3A_51, %scan3A_52 : i32
        %scan3A_54 = arith.constant 1 : i32
        scf.for %scan3A_56 = %scan3A_51 to %scan3A_53 step %scan3A_54  : i32 {
          %mul3A_57 = arith.constant 8 : i32
          %mul3A_58 = arith.muli %add3A_49, %mul3A_57 : i32
          %add3A_59 = arith.addi %mul3A_58, %scan3A_56 : i32
          %dma_start3A = arith.constant 0 : i32
          %dma_start3A_60 = arith.constant 0 : i32
          %dma_start3A_61 = arith.constant 0 : i32
          %dma_start3A_62 = tpu.memref_slice %arg6[%dma_start3A, %scan3A_56, %dma_start3A_60, %dma_start3A_61] : memref<2x8x20x128xf32, #tpu.memory_space<vmem>> -> memref<1x1x20x128xf32, #tpu.memory_space<vmem>>
          %dma_start3A_63 = tpu.memref_squeeze %dma_start3A_62 : memref<1x1x20x128xf32, #tpu.memory_space<vmem>> -> memref<20x128xf32, #tpu.memory_space<vmem>>
          %dma_start3A_64 = arith.constant 0 : i32
          %dma_start3A_65 = tpu.memref_slice %arg5[%add3A_59, %dma_start3A_64] : memref<512x20xi32, #tpu.memory_space<vmem>> -> memref<1x20xi32, #tpu.memory_space<vmem>>
          %dma_start3A_66 = tpu.memref_squeeze %dma_start3A_65 : memref<1x20xi32, #tpu.memory_space<vmem>> -> memref<20xi32, #tpu.memory_space<vmem>>
          %dma_start3A_67 = arith.constant 0 : i32
          %dma_start3A_68 = arith.constant 0 : i32
          %dma_start3A_69 = tpu.memref_slice %arg3[%dma_start3A_67, %dma_start3A_68] : memref<500000x128xf32, #tpu.memory_space<hbm>> -> memref<500000x128xf32, #tpu.memory_space<hbm>>
          tpu.enqueue_indirect_dma source(%dma_start3A_69 : memref<500000x128xf32, #tpu.memory_space<hbm>>) target(%dma_start3A_63 : memref<20x128xf32, #tpu.memory_space<vmem>>) offsets(%dma_start3A_66 : memref<20xi32, #tpu.memory_space<vmem>>) semaphore(%arg7 : memref<!tpu.dma_semaphore, #tpu.memory_space<semaphore_mem>>)
        }
        %scan3A_55 = arith.constant 8 : i32
      } else {
      }
      %add3A_36 = arith.constant 1 : i32
      %add3A_37 = arith.addi %mul3A_16, %add3A_36 : i32
      %scan3A_38 = arith.constant 0 : i32
      %scan3A_39 = arith.constant 0 : i32
      %scan3A_40 = arith.constant 8 : i32
      %scan3A_41 = arith.addi %scan3A_39, %scan3A_40 : i32
      %scan3A_42 = arith.constant 1 : i32
      scf.for %scan3A_48 = %scan3A_39 to %scan3A_41 step %scan3A_42  : i32 {
        %mul3A_49 = arith.constant 8 : i32
        %mul3A_50 = arith.muli %add3A_37, %mul3A_49 : i32
        %add3A_51 = arith.addi %mul3A_50, %scan3A_48 : i32
        %dma_wait3A = arith.constant 1 : i32
        %dma_wait3A_52 = arith.constant 0 : i32
        %dma_wait3A_53 = arith.constant 0 : i32
        %dma_wait3A_54 = tpu.memref_slice %arg6[%dma_wait3A, %scan3A_48, %dma_wait3A_52, %dma_wait3A_53] : memref<2x8x20x128xf32, #tpu.memory_space<vmem>> -> memref<1x1x20x128xf32, #tpu.memory_space<vmem>>
        %dma_wait3A_55 = tpu.memref_squeeze %dma_wait3A_54 : memref<1x1x20x128xf32, #tpu.memory_space<vmem>> -> memref<20x128xf32, #tpu.memory_space<vmem>>
        %dma_wait3A_56 = arith.constant 0 : i32
        %dma_wait3A_57 = tpu.memref_slice %arg5[%add3A_51, %dma_wait3A_56] : memref<512x20xi32, #tpu.memory_space<vmem>> -> memref<1x20xi32, #tpu.memory_space<vmem>>
        %dma_wait3A_58 = tpu.memref_squeeze %dma_wait3A_57 : memref<1x20xi32, #tpu.memory_space<vmem>> -> memref<20xi32, #tpu.memory_space<vmem>>
        %dma_wait3A_59 = arith.constant 0 : i32
        %dma_wait3A_60 = arith.constant 0 : i32
        %dma_wait3A_61 = tpu.memref_slice %arg3[%dma_wait3A_59, %dma_wait3A_60] : memref<500000x128xf32, #tpu.memory_space<hbm>> -> memref<500000x128xf32, #tpu.memory_space<hbm>>
        tpu.wait_indirect_dma semaphore(%arg8 : memref<!tpu.dma_semaphore, #tpu.memory_space<semaphore_mem>>) src(%dma_wait3A_61 : memref<500000x128xf32, #tpu.memory_space<hbm>>) dst(%dma_wait3A_55 : memref<20x128xf32, #tpu.memory_space<vmem>>)
      }
      %scan3A_43 = arith.constant 8 : i32
      %mul3A_44 = arith.constant 8 : i32
      %mul3A_45 = arith.muli %add3A_37, %mul3A_44 : i32
      %add3A_46 = arith.addi %mul3A_2, %mul3A_45 : i32
      %run_scoped3A_47 = arith.constant 1 : i32
      "tpu.region"() ({
        %run_scoped3A_48 = tpu.sem_alloc : memref<!tpu.dma_semaphore, #tpu.memory_space<semaphore_mem>>
        %dma_start3A = arith.constant 0 : i32
        %dma_start3A_49 = arith.constant 0 : i32
        %dma_start3A_50 = arith.constant 0 : i32
        %dma_start3A_51 = tpu.memref_slice %arg6[%run_scoped3A_47, %dma_start3A, %dma_start3A_49, %dma_start3A_50] : memref<2x8x20x128xf32, #tpu.memory_space<vmem>> -> memref<1x8x20x128xf32, #tpu.memory_space<vmem>>
        %dma_start3A_52 = tpu.memref_squeeze %dma_start3A_51 : memref<1x8x20x128xf32, #tpu.memory_space<vmem>> -> memref<8x20x128xf32, #tpu.memory_space<vmem>>
        %dma_start3A_53 = arith.constant 0 : i32
        %dma_start3A_54 = arith.constant 0 : i32
        %dma_start3A_55 = tpu.memref_slice %arg4[%add3A_46, %dma_start3A_53, %dma_start3A_54] : memref<16384x20x128xf32, #tpu.memory_space<hbm>> -> memref<8x20x128xf32, #tpu.memory_space<hbm>>
        %dma_start3A_56 = arith.constant 0 : i32
        %dma_start3A_57 = arith.constant 0 : i32
        %dma_start3A_58 = tpu.memref_slice %arg4[%add3A_46, %dma_start3A_56, %dma_start3A_57] : memref<16384x20x128xf32, #tpu.memory_space<hbm>> -> memref<8x20x128xf32, #tpu.memory_space<hbm>>
        %dma_start3A_59 = arith.constant 0 : i32
        %dma_start3A_60 = arith.constant 0 : i32
        %dma_start3A_61 = arith.constant 0 : i32
        %dma_start3A_62 = tpu.memref_slice %arg6[%run_scoped3A_47, %dma_start3A_59, %dma_start3A_60, %dma_start3A_61] : memref<2x8x20x128xf32, #tpu.memory_space<vmem>> -> memref<1x8x20x128xf32, #tpu.memory_space<vmem>>
        %dma_start3A_63 = tpu.memref_squeeze %dma_start3A_62 : memref<1x8x20x128xf32, #tpu.memory_space<vmem>> -> memref<8x20x128xf32, #tpu.memory_space<vmem>>
        tpu.enqueue_dma source(%dma_start3A_63 : memref<8x20x128xf32, #tpu.memory_space<vmem>>) target(%dma_start3A_58 : memref<8x20x128xf32, #tpu.memory_space<hbm>>) target_semaphore(%run_scoped3A_48 : memref<!tpu.dma_semaphore, #tpu.memory_space<semaphore_mem>>)
        %dma_wait3A = arith.constant 0 : i32
        %dma_wait3A_64 = arith.constant 0 : i32
        %dma_wait3A_65 = arith.constant 0 : i32
        %dma_wait3A_66 = tpu.memref_slice %arg6[%run_scoped3A_47, %dma_wait3A, %dma_wait3A_64, %dma_wait3A_65] : memref<2x8x20x128xf32, #tpu.memory_space<vmem>> -> memref<1x8x20x128xf32, #tpu.memory_space<vmem>>
        %dma_wait3A_67 = tpu.memref_squeeze %dma_wait3A_66 : memref<1x8x20x128xf32, #tpu.memory_space<vmem>> -> memref<8x20x128xf32, #tpu.memory_space<vmem>>
        %dma_wait3A_68 = arith.constant 0 : i32
        %dma_wait3A_69 = arith.constant 0 : i32
        %dma_wait3A_70 = tpu.memref_slice %arg4[%add3A_46, %dma_wait3A_68, %dma_wait3A_69] : memref<16384x20x128xf32, #tpu.memory_space<hbm>> -> memref<8x20x128xf32, #tpu.memory_space<hbm>>
        %dma_wait3A_71 = arith.constant 0 : i32
        %dma_wait3A_72 = arith.constant 0 : i32
        %dma_wait3A_73 = tpu.memref_slice %arg4[%add3A_46, %dma_wait3A_71, %dma_wait3A_72] : memref<16384x20x128xf32, #tpu.memory_space<hbm>> -> memref<8x20x128xf32, #tpu.memory_space<hbm>>
        %dma_wait3A_74 = arith.constant 0 : i32
        %dma_wait3A_75 = arith.constant 0 : i32
        %dma_wait3A_76 = arith.constant 0 : i32
        %dma_wait3A_77 = tpu.memref_slice %arg6[%run_scoped3A_47, %dma_wait3A_74, %dma_wait3A_75, %dma_wait3A_76] : memref<2x8x20x128xf32, #tpu.memory_space<vmem>> -> memref<1x8x20x128xf32, #tpu.memory_space<vmem>>
        %dma_wait3A_78 = tpu.memref_squeeze %dma_wait3A_77 : memref<1x8x20x128xf32, #tpu.memory_space<vmem>> -> memref<8x20x128xf32, #tpu.memory_space<vmem>>
        tpu.wait_dma2 semaphore(%run_scoped3A_48 : memref<!tpu.dma_semaphore, #tpu.memory_space<semaphore_mem>>) src(%dma_wait3A_78 : memref<8x20x128xf32, #tpu.memory_space<vmem>>) dst(%dma_wait3A_73 : memref<8x20x128xf32, #tpu.memory_space<hbm>>)
        tpu.yield
      }) : () -> ()
    }
    %scan3A_13 = arith.constant 32 : i32
    return
  }
}

module attributes {stable_mosaic.version = 14 : i64} {
  func.func @_extract_block(%arg0: i32, %arg1: memref<128x20x128xf32, #tpu.memory_space<vmem>>, %arg2: memref<128x20xi32, #tpu.memory_space<vmem>>, %arg3: memref<128x20x64xf32, #tpu.memory_space<vmem>>) attributes {dimension_semantics = [#tpu.dimension_semantics<arbitrary>], iteration_bounds = array<i64: 128>, scalar_prefetch = 0 : i64, scratch_operands = 0 : i64, tpu.core_type = #tpu.core_type<tc>, window_params = [{transform_indices = @transform_0, window_bounds = array<i64: 128, 20, 128>}, {transform_indices = @transform_1, window_bounds = array<i64: 128, 20>}, {transform_indices = @transform_2, window_bounds = array<i64: 128, 20, 64>}]} {
    %get3A = arith.constant 0 : index
    %get3A_0 = arith.constant 0 : index
    %get3A_1 = arith.constant 0 : index
    %get3A_2 = vector.load %arg1[%get3A, %get3A_0, %get3A_1] : memref<128x20x128xf32, #tpu.memory_space<vmem>>, vector<128x20x128xf32>
    %get3A_3 = arith.constant 0 : index
    %get3A_4 = arith.constant 0 : index
    %get3A_5 = vector.load %arg2[%get3A_3, %get3A_4] : memref<128x20xi32, #tpu.memory_space<vmem>>, vector<128x20xi32>
    %and3A = arith.constant 1 : i32
    %and3A_6 = vector.broadcast %and3A : i32 to vector<128x20xi32>
    %and3A_7 = arith.andi %get3A_5, %and3A_6 : vector<128x20xi32>
    %convert_element_type3A = arith.sitofp %and3A_7 : vector<128x20xi32> to vector<128x20xf32>
    %slice3A = vector.extract_strided_slice %get3A_2 {offsets = [0, 0, 0], sizes = [128, 20, 64], strides = [1, 1, 1]} : vector<128x20x128xf32> to vector<128x20x64xf32>
    %slice3A_8 = vector.extract_strided_slice %get3A_2 {offsets = [0, 0, 64], sizes = [128, 20, 64], strides = [1, 1, 1]} : vector<128x20x128xf32> to vector<128x20x64xf32>
    %sub3A = arith.subf %slice3A_8, %slice3A : vector<128x20x64xf32>
    %broadcast_in_dim3A = vector.shape_cast %convert_element_type3A : vector<128x20xf32> to vector<128x20x1xf32>
    %mul3A = vector.broadcast %broadcast_in_dim3A : vector<128x20x1xf32> to vector<128x20x64xf32>
    %mul3A_9 = arith.mulf %sub3A, %mul3A : vector<128x20x64xf32>
    %add3A = arith.addf %slice3A, %mul3A_9 : vector<128x20x64xf32>
    %swap3A = arith.constant 0 : index
    %swap3A_10 = arith.constant 0 : index
    %swap3A_11 = arith.constant 0 : index
    %swap3A_12 = vector.load %arg3[%swap3A, %swap3A_10, %swap3A_11] : memref<128x20x64xf32, #tpu.memory_space<vmem>>, vector<128x20x64xf32>
    tpu.vector_store %arg3[%swap3A, %swap3A_10, %swap3A_11], %add3A {strides = array<i32>} : memref<128x20x64xf32, #tpu.memory_space<vmem>>, vector<128x20x64xf32>,
    return
  }
  func.func @transform_0(%arg0: i32) -> (i32, i32, i32) {
    %c0_i32 = arith.constant 0 : i32
    %c0_i32_0 = arith.constant 0 : i32
    %c0_i32_1 = arith.constant 0 : i32
    return %arg0, %c0_i32, %c0_i32_0 : i32, i32, i32
  }
  func.func @transform_1(%arg0: i32) -> (i32, i32) {
    %c0_i32 = arith.constant 0 : i32
    %c0_i32_0 = arith.constant 0 : i32
    return %arg0, %c0_i32 : i32, i32
  }
  func.func @transform_2(%arg0: i32) -> (i32, i32, i32) {
    %c0_i32 = arith.constant 0 : i32
    %c0_i32_0 = arith.constant 0 : i32
    %c0_i32_1 = arith.constant 0 : i32
    return %arg0, %c0_i32, %c0_i32_0 : i32, i32, i32
  }
}

</mosaic_0001>

<sc_bundles>
// kernel: kernel.4.cloned.1.call-start
scs
__scs_entry_jumppad:
0x0: {  	(pc) =	sbr.rel $0x88, $3  }
0x1: {  	(tag) =	ssettag $0x0;
	lr =	simm.s32 $0x1  }
0x2: {  	[smem:$0x3F9F] =	sst lr;
	_ =	strace $0xD0000000  }
0x3: {  	_ = 	snop  }
0x4: {  	_ = 	snop  }
0x5: {  	_ = 	snop  }
0x6: {  	_ = 	snop  }
0x7: {  	_ = 	snop  }
__scs_overlays_trampoline_lowered:
0x8: {  	[smem:$0x3FAE] =	sst s0  }
0x9: {  	[smem:$0x3FAF] =	sst s1  }
0xa: {  	[smem:$0x3FB0] =	sst s2  }
0xb: {  	[smem:$0x3FB1] =	sst s3  }
0xc: {  	[smem:$0x3FB2] =	sst s4  }
0xd: {  	[smem:$0x3FB3] =	sst s5  }
0xe: {  	[smem:$0x3FB4] =	sst s6  }
0xf: {  	[smem:$0x3FB5] =	sst s7  }
0x10: {  	[smem:$0x3FB6] =	sst s8  }
0x11: {  	[smem:$0x3FB7] =	sst s9;
	s0 =	simm.s32 @!p0 $0x0  }
0x12: {  	s1 =	sld [smem:$0x3F9D];
	s0 =	simm.s32 @p0 $0x1  }
0x13: {  	[smem:$0x3FB8] =	sst s0;
	s0 =	simm.s32 @!p1 $0x0  }
0x14: {  	s2 =	sld [smem:$0x3F9C];
	s0 =	simm.s32 @p1 $0x1  }
0x15: {  	[smem:$0x3FB9] =	sst s0;
	s0 =	simm.s32 @!p2 $0x0  }
0x16: {  	s3 =	sld [smem:$0x3FDB];
	s0 =	simm.s32 @p2 $0x1  }
0x17: {  	s4 =	simm.s32 $0x1BF5;
	[smem:$0x3FBB] =	sst s0  }
0x18: {  	s0 =	sld [smem:$0x3F9E];
	_ =	swait.ge [sflag:s4], $0x0  }
0x19: {  	s7 =	sld [smem:$0x3F9F]  }
0x1a: {  	s8 =	sadd.s32 $0xFFFFE003, lr  }
0x1b: {  	s9 =	sadd.s32 $0xFFFFFEF7, lr;
	s5 =	simm.s32 $0xFFFFFFFF;
	p2 =	slt.u32 s8, $0xFFFFF086  }
0x1c: {  	p1 =	slt.u32 s9, $0xF7A;
	s5 =	simm.s32 @!p2 $0x0  }
0x1d: {  	s5 =	simm.s32 @p1 $0x1;
	p0 =	seq.s32 s7, s2  }
0x1e: {  	s7 =	smul.u32 @!p0 $0xF7A, s2;
	p2 =	seq.s32 @!p0 s5, $0x0  }
0x1f: {  	s9 =	smul.u32 $0xF7A, s1;
	s8 =	simm.s32 @!p0 $0x1BF5;
	p2 =	por !p2, p0  }
0x20: {  	[sflag:s8] =	ssyncset.s32 @!p0 $0xFFFFF086;
	s6 =	sadd.s32 @!p0 s3, s7;
	s7 =	simm.s32 @!p0 $0x108  }
0x21: {  	s3 =	sadd.s32 s3, s9;
	s6 =	sadd.s32 @!p0 $0x88, s6;
	s7 =	simm.s32 @p2 $0x1082  }
0x22: {  	[simem:s7], [sflag:s8] =	dma.local @!p0 [hbm:s6], $0xF7A  }
0x23: {  	s9 =	sor.u32 $0xD0000000, s2;
	s6 =	simm.s32 $0x108;
	_ =	swait.ge @!p0 [sflag:s8], $0x0  }
0x24: {  	s3 =	sadd.s32 $0x88, s3;
	s6 =	simm.s32 @!p1 $0x1082;
	[sflag:s4] =	ssyncset.s32 $0xFFFFF086  }
0x25: {  	[simem:s6], [sflag:s4] =	dma.local [hbm:s3], $0xF7A  }
0x26: {  	[smem:$0x3F9F] =	sst s1;
	(tag) =	ssettag s2;
	_ =	strace s9  }
0x27: {  	s1 =	sld [smem:$0x3FAF]  }
0x28: {  	s2 =	sld [smem:$0x3FB0]  }
0x29: {  	s4 =	sld [smem:$0x3FB2]  }
0x2a: {  	p0 =	seq.s32 s5, $0x0;
	s5 =	sld [smem:$0x3FB3]  }
0x2b: {  	s6 =	sld [smem:$0x3FB4]  }
0x2c: {  	s7 =	sld [smem:$0x3FB5]  }
0x2d: {  	s3 =	simm.s32 $0x108;
	s8 =	sld [smem:$0x3FB6]  }
0x2e: {  	s3 =	simm.s32 @!p0 $0x1082;
	s9 =	sld [smem:$0x3FB7]  }
0x2f: {  	lr =	sadd.s32 s0, s3;
	s0 =	sld [smem:$0x3FAE]  }
0x30: {  	s3 =	sld [smem:$0x3FB1]  }
0x31: {  	[smem:$0x3FBA] =	sst s10  }
0x32: {  	s10 =	sld [smem:$0x3FB8];
	_ =	sdelay $0x3  }
0x33: {  	p0 =	seq.s32 s10, $0x1;
	s10 =	sld [smem:$0x3FBA];
	_ =	sdelay $0x3  }
0x34: {  	[smem:$0x3FBA] =	sst s10  }
0x35: {  	s10 =	sld [smem:$0x3FB9];
	_ =	sdelay $0x3  }
0x36: {  	p1 =	seq.s32 s10, $0x1;
	s10 =	sld [smem:$0x3FBA];
	_ =	sdelay $0x3  }
0x37: {  	[smem:$0x3FBA] =	sst s10  }
0x38: {  	s10 =	sld [smem:$0x3FBB]  }
0x39: {  	_ = 	snop;
	(pc) =	sbr.ind lr, $3  }
0x3a: {  	_ = 	snop  }
0x3b: {  	_ = 	snop  }
0x3c: {  	p2 =	seq.s32 s10, $0x1;
	s10 =	sld [smem:$0x3FBA]  }
0x3d: {  	_ =	shalt  }
0x3e: {  	_ =	shalt  }
0x3f: {  	_ =	shalt  }
0x40: {  	_ =	shalt  }
0x41: {  	_ =	shalt  }
0x42: {  	_ =	shalt  }
0x43: {  	_ =	shalt  }
0x44: {  	_ =	shalt  }
0x45: {  	_ =	shalt  }
0x46: {  	_ =	shalt  }
0x47: {  	_ =	shalt  }
0x48: {  	_ =	shalt  }
0x49: {  	_ =	shalt  }
0x4a: {  	_ =	shalt  }
0x4b: {  	_ =	shalt  }
0x4c: {  	_ =	shalt  }
0x4d: {  	_ =	shalt  }
0x4e: {  	_ =	shalt  }
0x4f: {  	_ =	shalt  }
0x50: {  	_ =	shalt  }
0x51: {  	_ =	shalt  }
0x52: {  	_ =	shalt  }
0x53: {  	_ =	shalt  }
0x54: {  	_ =	shalt  }
0x55: {  	_ =	shalt  }
0x56: {  	_ =	shalt  }
0x57: {  	_ =	shalt  }
0x58: {  	_ =	shalt  }
0x59: {  	_ =	shalt  }
0x5a: {  	_ =	shalt  }
0x5b: {  	_ =	shalt  }
0x5c: {  	_ =	shalt  }
0x5d: {  	_ =	shalt  }
0x5e: {  	_ =	shalt  }
0x5f: {  	_ =	shalt  }
0x60: {  	_ =	shalt  }
0x61: {  	_ =	shalt  }
0x62: {  	_ =	shalt  }
0x63: {  	_ =	shalt  }
0x64: {  	_ =	shalt  }
0x65: {  	_ =	shalt  }
0x66: {  	_ =	shalt  }
0x67: {  	_ =	shalt  }
0x68: {  	_ =	shalt  }
0x69: {  	_ =	shalt  }
0x6a: {  	_ =	shalt  }
0x6b: {  	_ =	shalt  }
0x6c: {  	_ =	shalt  }
0x6d: {  	_ =	shalt  }
0x6e: {  	_ =	shalt  }
0x6f: {  	_ =	shalt  }
0x70: {  	_ =	shalt  }
0x71: {  	_ =	shalt  }
0x72: {  	_ =	shalt  }
0x73: {  	_ =	shalt  }
0x74: {  	_ =	shalt  }
0x75: {  	_ =	shalt  }
0x76: {  	_ =	shalt  }
0x77: {  	_ =	shalt  }
0x78: {  	_ =	shalt  }
0x79: {  	_ =	shalt  }
0x7a: {  	_ =	shalt  }
0x7b: {  	_ =	shalt  }
0x7c: {  	_ =	shalt  }
0x7d: {  	_ =	shalt  }
0x7e: {  	_ =	shalt  }
0x7f: {  	_ =	shalt  }
0x80: {  	_ =	shalt  }
0x81: {  	_ =	shalt  }
0x82: {  	_ =	shalt  }
0x83: {  	_ =	shalt  }
0x84: {  	_ =	shalt  }
0x85: {  	_ =	shalt  }
0x86: {  	_ =	shalt  }
0x87: {  	_ =	shalt  }
.Lfunc_end0:
.L_simem_size_0:
called_computation_lowered:
.L_overlay_start_0:
0x88: {  	s2 =	sld [smem:$0x3FD9]  }
0x89: {  	s3 =	sld [smem:$0x3FFE];
	_ =	sdelay $0x1  }
0x8a: {  	s1 =	srdreg.scid  }
0x8b: {  	s0 =	sand.u32 $0x1, s1  }
0x8c: {  	s17 =	sshll.u32 s0, $0xA;
	s2 =	sadd.s32 s3, s2  }
0x8d: {  	s2 =	sadd.s32 s2, s17  }
0x8e: {  	[smem:$0x3FC6] =	sst s2  }
0x8f: {  	_ = 	snop  }
0x90: {  	s2 =	sld [smem:$0x3FD0];
	(tm) =	ssettm $0x1  }
0x91: {  	s18 =	sld [smem:$0x3FFB];
	_ =	sdelay $0x3  }
0x92: {  	_ =	strace s18  }
0x93: {  	s3 =	sld [smem:$0x3FFC];
	_ =	sdelay $0x3  }
0x94: {  	_ =	strace s3  }
0x95: {  	s3 =	sld [smem:$0x3FFD];
	_ =	sdelay $0x3  }
0x96: {  	_ =	strace s3  }
0x97: {  	_ =	strace $0x8FFFFFFF  }
0x98: {  	s19 =	sld [smem:$0x3FDB];
	_ =	sdelay $0x1  }
0x99: {  	s4 =	simm.s32 $_scs_section_size  }
0x9a: {  	s5 =	simm.s32 $_size__tile_overlayer_lowered;
	s6 =	simm.s32 $_tile_overlayer_lowered  }
0x9b: {  	s22 =	simm.s32 $0x1BFF;
	s21 =	sshll.u32 s6, $0x1;
	s3 =	sadd.s32 s4, s19  }
0x9c: {  	s7 =	simm.s32 $0x0;
	s20 =	sshll.u32 s5, $0x1;
	s5 =	sadd.s32 s21, s3  }
0x9d: {  	[timem:s7], [sflag:s22] =	dma.local [hbm:s5], s20  }
0x9e: {  	_ =	swait.ge [sflag:s22], s20  }
0x9f: {  	s4 =	ssub.s32 $0x0, s20;
	[sflag:s22] =	ssyncset.done $0x0  }
0xa0: {  	[sflag:s22] =	ssyncadd.s32 s4;
	_ =	sdelay $0x1  }
0xa1: {  	s23 =	simm.s32 $0x1B8B  }
0xa2: {  	_ =	swait.ge [sflag:s23], $0x1  }
0xa3: {  	[sflag:s23] =	ssyncset.done $0x0  }
0xa4: {  	s25 =	simm.s32 $0x1B8E;
	s24 =	sld [smem:$0x3FFE];
	[sflag:s23] =	ssyncadd.s32 $0xFFFFFFFF  }
0xa5: {  	s26 =	simm.s32 $execute0_lowered;
	[smem:$0x3FD2] =	sst s25  }
0xa6: {  	s5 =	sshll.u32 s26, $0x1;
	_ =	strace $0x80000046;
	[dreg:$0x1] =	wrdreg $0xFFFFFFFF  }
0xa7: {  	s28 =	simm.s32 $_size_execute0_lowered;
	s3 =	sadd.s32 s3, s5;
	[dreg:$0x0] =	wrdreg $0x0  }
0xa8: {  	s5 =	sshll.u32 s28, $0x1;
	[dreg:$0x2] =	wrdreg s3  }
0xa9: {  	[dreg:$0x3] =	wrdreg s5  }
0xaa: {  	[dreg:$0x4] =	wrdreg $0xC0  }
0xab: {  	_ =	task [dreg:s7], $0x5FFFF  }
0xac: {  	[dreg:$0x1] =	wrdreg $0xFFFFFFFF  }
0xad: {  	[dreg:$0x0] =	wrdreg $0x60  }
0xae: {  	[dreg:$0x2] =	wrdreg s2  }
0xaf: {  	[dreg:$0x3] =	wrdreg s24  }
0xb0: {  	[dreg:$0x4] =	wrdreg $0x9  }
0xb1: {  	_ =	task.clear_ibuf [dreg:s7], $0x5FFFF;
	_ =	strace $0x90000046  }
0xb2: {  	s29 =	simm.s32 $0x9;
	_ =	strace $0x80000048  }
0xb3: {  	_ =	swait.ge [sflag:s29], $0x1  }
0xb4: {  	[sflag:s29] =	ssyncadd.s32 $0xFFFFFFFF  }
0xb5: {  	_ =	strace $0x90000048  }
0xb6: {  	_ =	sfence  }
0xb7: {  	s30 =	sld [smem:$0x0];
	_ =	sdelay $0x2  }
0xb8: {  	s31 =	sshll.u32 s1, $0xD;
	s1 =	sshrl.u32 s1, $0x2  }
0xb9: {  	s3 =	sand.u32 $0x4000, s31;
	s1 =	sadd.s32 s1, s30  }
0xba: {  	s0 =	sor.u32 s3, s0;
	s1 =	sshll.u32 s1, $0x11  }
0xbb: {  	s0 =	sor.u32 s1, s0  }
0xbc: {  	s0 =	sadd.s32 $0x8F2B, s0  }
0xbd: {  	[sflag:s0] =	ssyncadd.remote.s32 $0x1  }
0xbe: {  	_ =	sfence.sel $0xFFFF  }
0xbf: {  	[dreg:$0x0] =	wrdreg $0xFFFFFFFF;
	(pc) =	sbr.abs _section_cstart, $3  }
0xc0: {  	[dreg:$0x1] =	wrdreg $0xFFFFFFFF  }
0xc1: {  	_ =	task.clear_ibuf [dreg:s7], $0x2FFFF;
	_ =	strace $0x9FFFFFFF  }
0xc2: {  	(tm) =	ssettm $0x7FFFFFFF  }
0xc3: {  	_ =	shalt  }
tec
execute0_lowered:
.L_overlay_start_1:
0x0: {  	(tag) =	ssettag $0x1  }
0x1: {  	s0 =	rddreg [dreg:$0x0]  }
0x2: {  	s1 =	rddreg [dreg:$0x1]  }
0x3: {  	s2 =	simm.s32 $0x0;
	s3 =	srdreg.scid;
	s7 =	stileid.u32  }
0x4: {  	s28 =	simm.s32 $0x18400;
	s29 =	simm.s32 $0x19000;
	s30 =	simm.s32 $0x19C00  }
0x5: {  	s31 =	simm.s32 $0x1A800;
	s10 =	simm.s32 $0x2;
	s13 =	simm.s32 $0x10000  }
0x6: {  	s15 =	simm.s32 $0x10C00;
	s17 =	simm.s32 $0x11800;
	s19 =	simm.s32 $0x12400  }
0x7: {  	s21 =	simm.s32 $0x13000;
	[smem:$0x7FF] =	sst s2;
	s4 =	sand.u32 $0x1, s3  }
0x8: {  	s3 =	sadd.s32 $0xF82C00, s1;
	s5 =	smul.u32 $0x60000, s7;
	s7 =	sshll.u32 s7, $0xE  }
0x9: {  	_ =	strace $0x80000047;
	s6 =	ssub.s32 $0x2, s4;
	s8 =	sshll.u32 s4, $0xD  }
0xa: {  	s9 =	smul.u32 $0x30000, s4;
	s1 =	sadd.s32 s5, s1;
	s23 =	sshrl.u32 s6, $0x1  }
0xb: {  	s24 =	sor.u32 s8, s7;
	s7 =	simm.s32 $0x3;
	s8 =	simm.s32 $0x14  }
0xc: {  	s5 =	simm.s32 $0x0;
	s6 =	ssub.s32 s6, s23;
	s0 =	sadd.s32 s0, s24  }
0xd: {  	s25 =	sadd.s32 s9, s1;
	s24 =	simm.s32 $0x16000;
	s1 =	simm.s32 $0x1  }
0xe: {  	s23 =	simm.s32 $0x13C00;
	[dreg:$0x3] =	wrdreg s0;
	s26 =	smax.u32 s6, $0x1  }
0xf: {  	s0 =	sadd.s32 $0x40800, s25;
	s25 =	simm.s32 $0x16C00;
	[dreg:$0x4] =	wrdreg s26  }
0x10: {  	[dreg:$0x5] =	wrdreg s0;
	s26 =	simm.s32 $0x17800;
	s0 =	simm.s32 $0x1B400  }
.LBB2_1:
0x11: {  	[dreg:$0x6] =	wrdreg s5  }
0x12: {  	s4 =	rddreg [dreg:$0x3]  }
0x13: {  	[tilespmem:s2], [sflag:$0x3] =	stream.linear.gather [hbm4b:s4+s2], $0x10000, $0x38;
	[tilespmem:$0x1C000] =	vst v63  }
0x14: {  	_ =	swait.ge [sflag:s7], $0x10000  }
0x15: {  	[sflag:s7] =	ssyncset.done $0x0  }
0x16: {  	s5 =	simm.s32 $0x10000;
	[sflag:s7] =	ssyncadd.s32 $0xFFFF0000  }
0x17: {  	[tilespmem:s5], [sflag:$0x1] =	stream.indirect.gather [hbm4b:s3+s8], $0x80, s2, s8, $0xb8;
	[tilespmem:$0x1C000] =	vst v63  }
0x18: {  	s11 =	simm.s32 $0x80;
	s6 =	simm.s32 $0x10C00  }
0x19: {  	[tilespmem:s6], [sflag:$0x1] =	stream.indirect.gather [hbm4b:s3+s8], $0x80, s11, s8, $0xb8;
	[tilespmem:$0x1C000] =	vst v63  }
0x1a: {  	s12 =	simm.s32 $0x100;
	s9 =	simm.s32 $0x11800  }
0x1b: {  	[tilespmem:s9], [sflag:$0x1] =	stream.indirect.gather [hbm4b:s3+s8], $0x80, s12, s8, $0xb8;
	[tilespmem:$0x1C000] =	vst v63  }
0x1c: {  	s14 =	simm.s32 $0x180;
	s11 =	simm.s32 $0x12400  }
0x1d: {  	[tilespmem:s11], [sflag:$0x1] =	stream.indirect.gather [hbm4b:s3+s8], $0x80, s14, s8, $0xb8;
	[tilespmem:$0x1C000] =	vst v63  }
0x1e: {  	s16 =	simm.s32 $0x200;
	s12 =	simm.s32 $0x13000  }
0x1f: {  	[tilespmem:s12], [sflag:$0x1] =	stream.indirect.gather [hbm4b:s3+s8], $0x80, s16, s8, $0xb8;
	[tilespmem:$0x1C000] =	vst v63  }
0x20: {  	s18 =	simm.s32 $0x280;
	s16 =	simm.s32 $0x13C00  }
0x21: {  	[tilespmem:s16], [sflag:$0x1] =	stream.indirect.gather [hbm4b:s3+s8], $0x80, s18, s8, $0xb8;
	[tilespmem:$0x1C000] =	vst v63  }
0x22: {  	s20 =	simm.s32 $0x300;
	s18 =	simm.s32 $0x14800  }
0x23: {  	[tilespmem:s18], [sflag:$0x1] =	stream.indirect.gather [hbm4b:s3+s8], $0x80, s20, s8, $0xb8;
	[tilespmem:$0x1C000] =	vst v63  }
0x24: {  	s22 =	simm.s32 $0x380;
	s20 =	simm.s32 $0x15400  }
0x25: {  	[tilespmem:s20], [sflag:$0x1] =	stream.indirect.gather [hbm4b:s3+s8], $0x80, s22, s8, $0xb8;
	[tilespmem:$0x1C000] =	vst v63  }
0x26: {  	s14 =	simm.s32 $0x400  }
0x27: {  	[tilespmem:s24], [sflag:$0x2] =	stream.indirect.gather [hbm4b:s3+s8], $0x80, s14, s8, $0xb8;
	[tilespmem:$0x1C000] =	vst v63  }
0x28: {  	s4 =	simm.s32 $0x480  }
0x29: {  	[tilespmem:s25], [sflag:$0x2] =	stream.indirect.gather [hbm4b:s3+s8], $0x80, s4, s8, $0xb8;
	[tilespmem:$0x1C000] =	vst v63  }
0x2a: {  	s22 =	simm.s32 $0x500  }
0x2b: {  	[tilespmem:s26], [sflag:$0x2] =	stream.indirect.gather [hbm4b:s3+s8], $0x80, s22, s8, $0xb8;
	[tilespmem:$0x1C000] =	vst v63  }
0x2c: {  	s4 =	simm.s32 $0x580  }
0x2d: {  	[tilespmem:s28], [sflag:$0x2] =	stream.indirect.gather [hbm4b:s3+s8], $0x80, s4, s8, $0xb8;
	[tilespmem:$0x1C000] =	vst v63  }
0x2e: {  	s22 =	simm.s32 $0x600  }
0x2f: {  	[tilespmem:s29], [sflag:$0x2] =	stream.indirect.gather [hbm4b:s3+s8], $0x80, s22, s8, $0xb8;
	[tilespmem:$0x1C000] =	vst v63  }
0x30: {  	s4 =	simm.s32 $0x680  }
0x31: {  	[tilespmem:s30], [sflag:$0x2] =	stream.indirect.gather [hbm4b:s3+s8], $0x80, s4, s8, $0xb8;
	[tilespmem:$0x1C000] =	vst v63  }
0x32: {  	s22 =	simm.s32 $0x700  }
0x33: {  	[tilespmem:s31], [sflag:$0x2] =	stream.indirect.gather [hbm4b:s3+s8], $0x80, s22, s8, $0xb8;
	[tilespmem:$0x1C000] =	vst v63  }
0x34: {  	s4 =	simm.s32 $0x780  }
0x35: {  	[tilespmem:s0], [sflag:$0x2] =	stream.indirect.gather [hbm4b:s3+s8], $0x80, s4, s8, $0xb8;
	[tilespmem:$0x1C000] =	vst v63  }
0x36: {  	_ =	swait.ge [sflag:s1], $0xA00  }
0x37: {  	[sflag:s1] =	ssyncset.done $0x0  }
0x38: {  	[sflag:s1] =	ssyncadd.s32 $0xFFFFF600  }
0x39: {  	_ =	swait.ge [sflag:s1], $0xA00  }
0x3a: {  	[sflag:s1] =	ssyncset.done $0x0  }
0x3b: {  	[sflag:s1] =	ssyncadd.s32 $0xFFFFF600  }
0x3c: {  	_ =	swait.ge [sflag:s1], $0xA00  }
0x3d: {  	[sflag:s1] =	ssyncset.done $0x0  }
0x3e: {  	[sflag:s1] =	ssyncadd.s32 $0xFFFFF600  }
0x3f: {  	_ =	swait.ge [sflag:s1], $0xA00  }
0x40: {  	[sflag:s1] =	ssyncset.done $0x0  }
0x41: {  	[sflag:s1] =	ssyncadd.s32 $0xFFFFF600  }
0x42: {  	_ =	swait.ge [sflag:s1], $0xA00  }
0x43: {  	[sflag:s1] =	ssyncset.done $0x0  }
0x44: {  	[sflag:s1] =	ssyncadd.s32 $0xFFFFF600  }
0x45: {  	_ =	swait.ge [sflag:s1], $0xA00  }
0x46: {  	[sflag:s1] =	ssyncset.done $0x0  }
0x47: {  	[sflag:s1] =	ssyncadd.s32 $0xFFFFF600  }
0x48: {  	_ =	swait.ge [sflag:s1], $0xA00  }
0x49: {  	[sflag:s1] =	ssyncset.done $0x0  }
0x4a: {  	[sflag:s1] =	ssyncadd.s32 $0xFFFFF600  }
0x4b: {  	_ =	swait.ge [sflag:s1], $0xA00  }
0x4c: {  	[sflag:s1] =	ssyncset.done $0x0  }
0x4d: {  	s4 =	rddreg [dreg:$0x5];
	[sflag:s1] =	ssyncadd.s32 $0xFFFFF600  }
0x4e: {  	[hbm4b:s4+s2] =	stream.linear.scatter [tilespmem:s5], [sflag:$0x3], $0xA00, $0x38;
	[tilespmem:$0x1C000] =	vst v63  }
0x4f: {  	s5 =	sadd.s32 $0x180, s4  }
0x50: {  	[hbm4b:s5+s2] =	stream.linear.scatter [tilespmem:s6], [sflag:$0x3], $0xA00, $0x38;
	[tilespmem:$0x1C000] =	vst v63  }
0x51: {  	s6 =	sadd.s32 $0x300, s4  }
0x52: {  	[hbm4b:s6+s2] =	stream.linear.scatter [tilespmem:s9], [sflag:$0x3], $0xA00, $0x38;
	[tilespmem:$0x1C000] =	vst v63  }
0x53: {  	s9 =	sadd.s32 $0x480, s4  }
0x54: {  	[hbm4b:s9+s2] =	stream.linear.scatter [tilespmem:s11], [sflag:$0x3], $0xA00, $0x38;
	[tilespmem:$0x1C000] =	vst v63  }
0x55: {  	s11 =	sadd.s32 $0x600, s4  }
0x56: {  	[hbm4b:s11+s2] =	stream.linear.scatter [tilespmem:s12], [sflag:$0x3], $0xA00, $0x38;
	[tilespmem:$0x1C000] =	vst v63  }
0x57: {  	s12 =	sadd.s32 $0x780, s4  }
0x58: {  	[hbm4b:s12+s2] =	stream.linear.scatter [tilespmem:s16], [sflag:$0x3], $0xA00, $0x38;
	[tilespmem:$0x1C000] =	vst v63  }
0x59: {  	s22 =	sadd.s32 $0x900, s4  }
0x5a: {  	[hbm4b:s22+s2] =	stream.linear.scatter [tilespmem:s18], [sflag:$0x3], $0xA00, $0x38;
	[tilespmem:$0x1C000] =	vst v63  }
0x5b: {  	s5 =	sadd.s32 $0xA80, s4  }
0x5c: {  	[hbm4b:s5+s2] =	stream.linear.scatter [tilespmem:s20], [sflag:$0x3], $0xA00, $0x38;
	[tilespmem:$0x1C000] =	vst v63  }
0x5d: {  	p0 =	por $0x0, $0x0;
	_ =	swait.ge [sflag:s7], $0x5000  }
0x5e: {  	s14 =	simm.s32 @!p0 $0x10000;
	[sflag:s7] =	ssyncset.done $0x0  }
0x5f: {  	s16 =	simm.s32 @!p0 $0x800;
	s18 =	simm.s32 @!p0 $0x14;
	[sflag:s7] =	ssyncadd.s32 $0xFFFFB000  }
0x60: {  	[tilespmem:s14], [sflag:$0x1] =	stream.indirect.gather @!p0 [hbm4b:s3+s18], $0x80, s16, s18, $0xb8;
	[tilespmem:$0x1C000] =	vst v63  }
0x61: {  	s14 =	simm.s32 @!p0 $0x880;
	s16 =	simm.s32 @!p0 $0x10C00  }
0x62: {  	[tilespmem:s16], [sflag:$0x1] =	stream.indirect.gather @!p0 [hbm4b:s3+s18], $0x80, s14, s18, $0xb8;
	[tilespmem:$0x1C000] =	vst v63  }
0x63: {  	s14 =	simm.s32 @!p0 $0x900;
	s16 =	simm.s32 @!p0 $0x11800  }
0x64: {  	[tilespmem:s16], [sflag:$0x1] =	stream.indirect.gather @!p0 [hbm4b:s3+s18], $0x80, s14, s18, $0xb8;
	[tilespmem:$0x1C000] =	vst v63  }
0x65: {  	s14 =	simm.s32 @!p0 $0x980;
	s16 =	simm.s32 @!p0 $0x12400  }
0x66: {  	[tilespmem:s16], [sflag:$0x1] =	stream.indirect.gather @!p0 [hbm4b:s3+s18], $0x80, s14, s18, $0xb8;
	[tilespmem:$0x1C000] =	vst v63  }
0x67: {  	s14 =	simm.s32 @!p0 $0xA00;
	s16 =	simm.s32 @!p0 $0x13000  }
0x68: {  	[tilespmem:s16], [sflag:$0x1] =	stream.indirect.gather @!p0 [hbm4b:s3+s18], $0x80, s14, s18, $0xb8;
	[tilespmem:$0x1C000] =	vst v63  }
0x69: {  	s14 =	simm.s32 @!p0 $0xA80;
	s16 =	simm.s32 @!p0 $0x13C00  }
0x6a: {  	[tilespmem:s16], [sflag:$0x1] =	stream.indirect.gather @!p0 [hbm4b:s3+s18], $0x80, s14, s18, $0xb8;
	[tilespmem:$0x1C000] =	vst v63  }
0x6b: {  	s14 =	simm.s32 @!p0 $0xB00;
	s16 =	simm.s32 @!p0 $0x14800  }
0x6c: {  	[tilespmem:s16], [sflag:$0x1] =	stream.indirect.gather @!p0 [hbm4b:s3+s18], $0x80, s14, s18, $0xb8;
	[tilespmem:$0x1C000] =	vst v63  }
0x6d: {  	s14 =	simm.s32 @!p0 $0xB80;
	s16 =	simm.s32 @!p0 $0x15400  }
0x6e: {  	[tilespmem:s16], [sflag:$0x1] =	stream.indirect.gather @!p0 [hbm4b:s3+s18], $0x80, s14, s18, $0xb8;
	[tilespmem:$0x1C000] =	vst v63  }
0x6f: {  	_ =	swait.ge [sflag:s10], $0xA00  }
0x70: {  	[sflag:s10] =	ssyncset.done $0x0  }
0x71: {  	[sflag:s10] =	ssyncadd.s32 $0xFFFFF600  }
0x72: {  	_ =	swait.ge [sflag:s10], $0xA00  }
0x73: {  	[sflag:s10] =	ssyncset.done $0x0  }
0x74: {  	[sflag:s10] =	ssyncadd.s32 $0xFFFFF600  }
0x75: {  	_ =	swait.ge [sflag:s10], $0xA00  }
0x76: {  	[sflag:s10] =	ssyncset.done $0x0  }
0x77: {  	[sflag:s10] =	ssyncadd.s32 $0xFFFFF600  }
0x78: {  	_ =	swait.ge [sflag:s10], $0xA00  }
0x79: {  	[sflag:s10] =	ssyncset.done $0x0  }
0x7a: {  	[sflag:s10] =	ssyncadd.s32 $0xFFFFF600  }
0x7b: {  	_ =	swait.ge [sflag:s10], $0xA00  }
0x7c: {  	[sflag:s10] =	ssyncset.done $0x0  }
0x7d: {  	[sflag:s10] =	ssyncadd.s32 $0xFFFFF600  }
0x7e: {  	_ =	swait.ge [sflag:s10], $0xA00  }
0x7f: {  	[sflag:s10] =	ssyncset.done $0x0  }
0x80: {  	[sflag:s10] =	ssyncadd.s32 $0xFFFFF600  }
0x81: {  	_ =	swait.ge [sflag:s10], $0xA00  }
0x82: {  	[sflag:s10] =	ssyncset.done $0x0  }
0x83: {  	[sflag:s10] =	ssyncadd.s32 $0xFFFFF600  }
0x84: {  	_ =	swait.ge [sflag:s10], $0xA00  }
0x85: {  	[sflag:s10] =	ssyncset.done $0x0  }
0x86: {  	s6 =	sadd.s32 $0xC00, s4;
	[sflag:s10] =	ssyncadd.s32 $0xFFFFF600  }
0x87: {  	[hbm4b:s6+s2] =	stream.linear.scatter [tilespmem:s24], [sflag:$0x3], $0xA00, $0x38;
	[tilespmem:$0x1C000] =	vst v63  }
0x88: {  	s9 =	sadd.s32 $0xD80, s4  }
0x89: {  	[hbm4b:s9+s2] =	stream.linear.scatter [tilespmem:s25], [sflag:$0x3], $0xA00, $0x38;
	[tilespmem:$0x1C000] =	vst v63  }
0x8a: {  	s11 =	sadd.s32 $0xF00, s4  }
0x8b: {  	[hbm4b:s11+s2] =	stream.linear.scatter [tilespmem:s26], [sflag:$0x3], $0xA00, $0x38;
	[tilespmem:$0x1C000] =	vst v63  }
0x8c: {  	s12 =	sadd.s32 $0x1080, s4  }
0x8d: {  	[hbm4b:s12+s2] =	stream.linear.scatter [tilespmem:s28], [sflag:$0x3], $0xA00, $0x38;
	[tilespmem:$0x1C000] =	vst v63  }
0x8e: {  	s16 =	sadd.s32 $0x1200, s4  }
0x8f: {  	[hbm4b:s16+s2] =	stream.linear.scatter [tilespmem:s29], [sflag:$0x3], $0xA00, $0x38;
	[tilespmem:$0x1C000] =	vst v63  }
0x90: {  	s18 =	sadd.s32 $0x1380, s4  }
0x91: {  	[hbm4b:s18+s2] =	stream.linear.scatter [tilespmem:s30], [sflag:$0x3], $0xA00, $0x38;
	[tilespmem:$0x1C000] =	vst v63  }
0x92: {  	s20 =	sadd.s32 $0x1500, s4  }
0x93: {  	[hbm4b:s20+s2] =	stream.linear.scatter [tilespmem:s31], [sflag:$0x3], $0xA00, $0x38;
	[tilespmem:$0x1C000] =	vst v63  }
0x94: {  	s22 =	sadd.s32 $0x1680, s4  }
0x95: {  	[hbm4b:s22+s2] =	stream.linear.scatter [tilespmem:s0], [sflag:$0x3], $0xA00, $0x38;
	[tilespmem:$0x1C000] =	vst v63  }
0x96: {  	s14 =	sadd.s32 $0x1800, s4;
	_ =	swait.ge [sflag:s7], $0x5000  }
0x97: {  	s16 =	simm.s32 $0x2000;
	s18 =	simm.s32 $0x4000;
	[sflag:s7] =	ssyncset.done $0x0  }
.LBB2_2:
0x98: {  	s22 =	sshra.s32 s16, $0x2  }
0x99: {  	[sflag:s7] =	ssyncadd.s32 $0xFFFFB000;
	s20 =	smov.u32 s18;
	s18 =	sadd.s32 $0x2000, s18  }
0x9a: {  	p0 =	sne.s32 s18, $0x40000;
	s4 =	sadd.s32 $0x400, s22  }
0x9b: {  	[tilespmem:s24], [sflag:$0x2] =	stream.indirect.gather [hbm4b:s3+s8], $0x80, s4, s8, $0xb8;
	[tilespmem:$0x1C000] =	vst v63  }
0x9c: {  	s4 =	sadd.s32 $0x480, s22  }
0x9d: {  	[tilespmem:s25], [sflag:$0x2] =	stream.indirect.gather [hbm4b:s3+s8], $0x80, s4, s8, $0xb8;
	[tilespmem:$0x1C000] =	vst v63  }
0x9e: {  	s4 =	sadd.s32 $0x500, s22  }
0x9f: {  	[tilespmem:s26], [sflag:$0x2] =	stream.indirect.gather [hbm4b:s3+s8], $0x80, s4, s8, $0xb8;
	[tilespmem:$0x1C000] =	vst v63  }
0xa0: {  	s4 =	sadd.s32 $0x580, s22  }
0xa1: {  	[tilespmem:s28], [sflag:$0x2] =	stream.indirect.gather [hbm4b:s3+s8], $0x80, s4, s8, $0xb8;
	[tilespmem:$0x1C000] =	vst v63  }
0xa2: {  	s4 =	sadd.s32 $0x600, s22  }
0xa3: {  	[tilespmem:s29], [sflag:$0x2] =	stream.indirect.gather [hbm4b:s3+s8], $0x80, s4, s8, $0xb8;
	[tilespmem:$0x1C000] =	vst v63  }
0xa4: {  	s4 =	sadd.s32 $0x680, s22  }
0xa5: {  	[tilespmem:s30], [sflag:$0x2] =	stream.indirect.gather [hbm4b:s3+s8], $0x80, s4, s8, $0xb8;
	[tilespmem:$0x1C000] =	vst v63  }
0xa6: {  	s4 =	sadd.s32 $0x700, s22  }
0xa7: {  	[tilespmem:s31], [sflag:$0x2] =	stream.indirect.gather [hbm4b:s3+s8], $0x80, s4, s8, $0xb8;
	[tilespmem:$0x1C000] =	vst v63  }
0xa8: {  	s4 =	sadd.s32 $0x780, s22  }
0xa9: {  	[tilespmem:s0], [sflag:$0x2] =	stream.indirect.gather [hbm4b:s3+s8], $0x80, s4, s8, $0xb8;
	[tilespmem:$0x1C000] =	vst v63  }
0xaa: {  	_ =	swait.ge [sflag:s1], $0xA00  }
0xab: {  	[sflag:s1] =	ssyncset.done $0x0  }
0xac: {  	[sflag:s1] =	ssyncadd.s32 $0xFFFFF600  }
0xad: {  	_ =	swait.ge [sflag:s1], $0xA00  }
0xae: {  	[sflag:s1] =	ssyncset.done $0x0  }
0xaf: {  	[sflag:s1] =	ssyncadd.s32 $0xFFFFF600  }
0xb0: {  	_ =	swait.ge [sflag:s1], $0xA00  }
0xb1: {  	[sflag:s1] =	ssyncset.done $0x0  }
0xb2: {  	[sflag:s1] =	ssyncadd.s32 $0xFFFFF600  }
0xb3: {  	_ =	swait.ge [sflag:s1], $0xA00  }
0xb4: {  	[sflag:s1] =	ssyncset.done $0x0  }
0xb5: {  	[sflag:s1] =	ssyncadd.s32 $0xFFFFF600  }
0xb6: {  	_ =	swait.ge [sflag:s1], $0xA00  }
0xb7: {  	[sflag:s1] =	ssyncset.done $0x0  }
0xb8: {  	[sflag:s1] =	ssyncadd.s32 $0xFFFFF600  }
0xb9: {  	_ =	swait.ge [sflag:s1], $0xA00  }
0xba: {  	[sflag:s1] =	ssyncset.done $0x0  }
0xbb: {  	[sflag:s1] =	ssyncadd.s32 $0xFFFFF600  }
0xbc: {  	_ =	swait.ge [sflag:s1], $0xA00  }
0xbd: {  	[sflag:s1] =	ssyncset.done $0x0  }
0xbe: {  	[sflag:s1] =	ssyncadd.s32 $0xFFFFF600  }
0xbf: {  	_ =	swait.ge [sflag:s1], $0xA00  }
0xc0: {  	[sflag:s1] =	ssyncset.done $0x0  }
0xc1: {  	[sflag:s1] =	ssyncadd.s32 $0xFFFFF600  }
0xc2: {  	[hbm4b:s14+s2] =	stream.linear.scatter [tilespmem:s13], [sflag:$0x3], $0xA00, $0x38;
	[tilespmem:$0x1C000] =	vst v63  }
0xc3: {  	s4 =	sadd.s32 $0x180, s14  }
0xc4: {  	[hbm4b:s4+s2] =	stream.linear.scatter [tilespmem:s15], [sflag:$0x3], $0xA00, $0x38;
	[tilespmem:$0x1C000] =	vst v63  }
0xc5: {  	s4 =	sadd.s32 $0x300, s14  }
0xc6: {  	[hbm4b:s4+s2] =	stream.linear.scatter [tilespmem:s17], [sflag:$0x3], $0xA00, $0x38;
	[tilespmem:$0x1C000] =	vst v63  }
0xc7: {  	s4 =	sadd.s32 $0x480, s14  }
0xc8: {  	[hbm4b:s4+s2] =	stream.linear.scatter [tilespmem:s19], [sflag:$0x3], $0xA00, $0x38;
	[tilespmem:$0x1C000] =	vst v63  }
0xc9: {  	s4 =	sadd.s32 $0x600, s14  }
0xca: {  	[hbm4b:s4+s2] =	stream.linear.scatter [tilespmem:s21], [sflag:$0x3], $0xA00, $0x38;
	[tilespmem:$0x1C000] =	vst v63  }
0xcb: {  	s4 =	sadd.s32 $0x780, s14  }
0xcc: {  	[hbm4b:s4+s2] =	stream.linear.scatter [tilespmem:s23], [sflag:$0x3], $0xA00, $0x38;
	[tilespmem:$0x1C000] =	vst v63  }
0xcd: {  	s5 =	simm.s32 $0x14800;
	s4 =	sadd.s32 $0x900, s14  }
0xce: {  	[hbm4b:s4+s2] =	stream.linear.scatter [tilespmem:s5], [sflag:$0x3], $0xA00, $0x38;
	[tilespmem:$0x1C000] =	vst v63  }
0xcf: {  	s4 =	sadd.s32 $0xA80, s14;
	s5 =	simm.s32 $0x15400  }
0xd0: {  	[hbm4b:s4+s2] =	stream.linear.scatter [tilespmem:s5], [sflag:$0x3], $0xA00, $0x38;
	[tilespmem:$0x1C000] =	vst v63  }
0xd1: {  	p1 =	seq.s32 s16, $0x3E000;
	_ =	swait.ge [sflag:s7], $0x5000  }
0xd2: {  	s4 =	sshra.s32 @!p1 s16, $0x2;
	s16 =	simm.s32 @!p1 $0x10000;
	[sflag:s7] =	ssyncset.done $0x0  }
0xd3: {  	s5 =	simm.s32 @!p1 $0x14;
	s22 =	sadd.s32 @!p1 $0x800, s4;
	[sflag:s7] =	ssyncadd.s32 $0xFFFFB000  }
0xd4: {  	[tilespmem:s16], [sflag:$0x1] =	stream.indirect.gather @!p1 [hbm4b:s3+s5], $0x80, s22, s5, $0xb8;
	[tilespmem:$0x1C000] =	vst v63  }
0xd5: {  	s12 =	sadd.s32 @!p1 $0x900, s4;
	s16 =	sadd.s32 @!p1 $0x880, s4;
	s22 =	simm.s32 @!p1 $0x10C00  }
0xd6: {  	[tilespmem:s22], [sflag:$0x1] =	stream.indirect.gather @!p1 [hbm4b:s3+s5], $0x80, s16, s5, $0xb8;
	[tilespmem:$0x1C000] =	vst v63  }
0xd7: {  	s6 =	sadd.s32 @!p1 $0xA00, s4;
	s16 =	simm.s32 @!p1 $0x11800;
	s22 =	sadd.s32 @!p1 $0x980, s4  }
0xd8: {  	[tilespmem:s16], [sflag:$0x1] =	stream.indirect.gather @!p1 [hbm4b:s3+s5], $0x80, s12, s5, $0xb8;
	[tilespmem:$0x1C000] =	vst v63  }
0xd9: {  	s9 =	sadd.s32 @!p1 $0xA80, s4;
	s11 =	sadd.s32 @!p1 $0xB00, s4;
	s12 =	simm.s32 @!p1 $0x12400  }
0xda: {  	[tilespmem:s12], [sflag:$0x1] =	stream.indirect.gather @!p1 [hbm4b:s3+s5], $0x80, s22, s5, $0xb8;
	[tilespmem:$0x1C000] =	vst v63  }
0xdb: {  	s4 =	sadd.s32 @!p1 $0xB80, s4;
	s16 =	smov.u32 s20;
	s12 =	simm.s32 @!p1 $0x13000  }
0xdc: {  	[tilespmem:s12], [sflag:$0x1] =	stream.indirect.gather @!p1 [hbm4b:s3+s5], $0x80, s6, s5, $0xb8;
	[tilespmem:$0x1C000] =	vst v63  }
0xdd: {  	s6 =	simm.s32 @!p1 $0x13C00  }
0xde: {  	[tilespmem:s6], [sflag:$0x1] =	stream.indirect.gather @!p1 [hbm4b:s3+s5], $0x80, s9, s5, $0xb8;
	[tilespmem:$0x1C000] =	vst v63  }
0xdf: {  	s6 =	simm.s32 @!p1 $0x14800  }
0xe0: {  	[tilespmem:s6], [sflag:$0x1] =	stream.indirect.gather @!p1 [hbm4b:s3+s5], $0x80, s11, s5, $0xb8;
	[tilespmem:$0x1C000] =	vst v63  }
0xe1: {  	s6 =	simm.s32 @!p1 $0x15400  }
0xe2: {  	[tilespmem:s6], [sflag:$0x1] =	stream.indirect.gather @!p1 [hbm4b:s3+s5], $0x80, s4, s5, $0xb8;
	[tilespmem:$0x1C000] =	vst v63  }
0xe3: {  	_ =	swait.ge [sflag:s10], $0xA00  }
0xe4: {  	[sflag:s10] =	ssyncset.done $0x0  }
0xe5: {  	[sflag:s10] =	ssyncadd.s32 $0xFFFFF600  }
0xe6: {  	_ =	swait.ge [sflag:s10], $0xA00  }
0xe7: {  	[sflag:s10] =	ssyncset.done $0x0  }
0xe8: {  	[sflag:s10] =	ssyncadd.s32 $0xFFFFF600  }
0xe9: {  	_ =	swait.ge [sflag:s10], $0xA00  }
0xea: {  	[sflag:s10] =	ssyncset.done $0x0  }
0xeb: {  	[sflag:s10] =	ssyncadd.s32 $0xFFFFF600  }
0xec: {  	_ =	swait.ge [sflag:s10], $0xA00  }
0xed: {  	[sflag:s10] =	ssyncset.done $0x0  }
0xee: {  	[sflag:s10] =	ssyncadd.s32 $0xFFFFF600  }
0xef: {  	_ =	swait.ge [sflag:s10], $0xA00  }
0xf0: {  	[sflag:s10] =	ssyncset.done $0x0  }
0xf1: {  	[sflag:s10] =	ssyncadd.s32 $0xFFFFF600  }
0xf2: {  	_ =	swait.ge [sflag:s10], $0xA00  }
0xf3: {  	[sflag:s10] =	ssyncset.done $0x0  }
0xf4: {  	[sflag:s10] =	ssyncadd.s32 $0xFFFFF600  }
0xf5: {  	_ =	swait.ge [sflag:s10], $0xA00  }
0xf6: {  	[sflag:s10] =	ssyncset.done $0x0  }
0xf7: {  	[sflag:s10] =	ssyncadd.s32 $0xFFFFF600  }
0xf8: {  	_ =	swait.ge [sflag:s10], $0xA00  }
0xf9: {  	[sflag:s10] =	ssyncset.done $0x0  }
0xfa: {  	s4 =	sadd.s32 $0xC00, s14;
	[sflag:s10] =	ssyncadd.s32 $0xFFFFF600  }
0xfb: {  	[hbm4b:s4+s2] =	stream.linear.scatter [tilespmem:s24], [sflag:$0x3], $0xA00, $0x38;
	[tilespmem:$0x1C000] =	vst v63  }
0xfc: {  	s4 =	sadd.s32 $0xD80, s14  }
0xfd: {  	[hbm4b:s4+s2] =	stream.linear.scatter [tilespmem:s25], [sflag:$0x3], $0xA00, $0x38;
	[tilespmem:$0x1C000] =	vst v63  }
0xfe: {  	s4 =	sadd.s32 $0xF00, s14  }
0xff: {  	[hbm4b:s4+s2] =	stream.linear.scatter [tilespmem:s26], [sflag:$0x3], $0xA00, $0x38;
	[tilespmem:$0x1C000] =	vst v63  }
0x100: {  	s4 =	sadd.s32 $0x1080, s14  }
0x101: {  	[hbm4b:s4+s2] =	stream.linear.scatter [tilespmem:s28], [sflag:$0x3], $0xA00, $0x38;
	[tilespmem:$0x1C000] =	vst v63  }
0x102: {  	s4 =	sadd.s32 $0x1200, s14  }
0x103: {  	[hbm4b:s4+s2] =	stream.linear.scatter [tilespmem:s29], [sflag:$0x3], $0xA00, $0x38;
	[tilespmem:$0x1C000] =	vst v63  }
0x104: {  	s4 =	sadd.s32 $0x1380, s14  }
0x105: {  	[hbm4b:s4+s2] =	stream.linear.scatter [tilespmem:s30], [sflag:$0x3], $0xA00, $0x38;
	[tilespmem:$0x1C000] =	vst v63  }
0x106: {  	s4 =	sadd.s32 $0x1500, s14  }
0x107: {  	[hbm4b:s4+s2] =	stream.linear.scatter [tilespmem:s31], [sflag:$0x3], $0xA00, $0x38;
	[tilespmem:$0x1C000] =	vst v63  }
.Ltmp0:
0x108: {  	_ = 	snop;
	(pc) =	sbr.rel @p0 .LBB2_2-.Ltmp0, $4  }
0x109: {  	s4 =	sadd.s32 $0x1680, s14  }
0x10a: {  	[hbm4b:s4+s2] =	stream.linear.scatter [tilespmem:s0], [sflag:$0x3], $0xA00, $0x38;
	[tilespmem:$0x1C000] =	vst v63  }
0x10b: {  	_ =	swait.ge [sflag:s7], $0x5000  }
0x10c: {  	s14 =	sadd.s32 $0x1800, s14;
	[sflag:s7] =	ssyncset.done $0x0  }
0x10d: {  	s4 =	sshra.s32 s16, $0x2  }
0x10e: {  	[sflag:s7] =	ssyncadd.s32 $0xFFFFB000;
	s5 =	sadd.s32 $0x400, s4  }
0x10f: {  	[tilespmem:s24], [sflag:$0x2] =	stream.indirect.gather [hbm4b:s3+s8], $0x80, s5, s8, $0xb8;
	[tilespmem:$0x1C000] =	vst v63  }
0x110: {  	s22 =	sadd.s32 $0x480, s4  }
0x111: {  	[tilespmem:s25], [sflag:$0x2] =	stream.indirect.gather [hbm4b:s3+s8], $0x80, s22, s8, $0xb8;
	[tilespmem:$0x1C000] =	vst v63  }
0x112: {  	s6 =	sadd.s32 $0x500, s4  }
0x113: {  	[tilespmem:s26], [sflag:$0x2] =	stream.indirect.gather [hbm4b:s3+s8], $0x80, s6, s8, $0xb8;
	[tilespmem:$0x1C000] =	vst v63  }
0x114: {  	s9 =	sadd.s32 $0x580, s4  }
0x115: {  	[tilespmem:s28], [sflag:$0x2] =	stream.indirect.gather [hbm4b:s3+s8], $0x80, s9, s8, $0xb8;
	[tilespmem:$0x1C000] =	vst v63  }
0x116: {  	s11 =	sadd.s32 $0x600, s4  }
0x117: {  	[tilespmem:s29], [sflag:$0x2] =	stream.indirect.gather [hbm4b:s3+s8], $0x80, s11, s8, $0xb8;
	[tilespmem:$0x1C000] =	vst v63  }
0x118: {  	s12 =	sadd.s32 $0x680, s4  }
0x119: {  	[tilespmem:s30], [sflag:$0x2] =	stream.indirect.gather [hbm4b:s3+s8], $0x80, s12, s8, $0xb8;
	[tilespmem:$0x1C000] =	vst v63  }
0x11a: {  	s18 =	sadd.s32 $0x700, s4  }
0x11b: {  	[tilespmem:s31], [sflag:$0x2] =	stream.indirect.gather [hbm4b:s3+s8], $0x80, s18, s8, $0xb8;
	[tilespmem:$0x1C000] =	vst v63  }
0x11c: {  	s4 =	sadd.s32 $0x780, s4  }
0x11d: {  	[tilespmem:s0], [sflag:$0x2] =	stream.indirect.gather [hbm4b:s3+s8], $0x80, s4, s8, $0xb8;
	[tilespmem:$0x1C000] =	vst v63  }
0x11e: {  	_ =	swait.ge [sflag:s1], $0xA00  }
0x11f: {  	[sflag:s1] =	ssyncset.done $0x0  }
0x120: {  	[sflag:s1] =	ssyncadd.s32 $0xFFFFF600  }
0x121: {  	_ =	swait.ge [sflag:s1], $0xA00  }
0x122: {  	[sflag:s1] =	ssyncset.done $0x0  }
0x123: {  	[sflag:s1] =	ssyncadd.s32 $0xFFFFF600  }
0x124: {  	_ =	swait.ge [sflag:s1], $0xA00  }
0x125: {  	[sflag:s1] =	ssyncset.done $0x0  }
0x126: {  	[sflag:s1] =	ssyncadd.s32 $0xFFFFF600  }
0x127: {  	_ =	swait.ge [sflag:s1], $0xA00  }
0x128: {  	[sflag:s1] =	ssyncset.done $0x0  }
0x129: {  	[sflag:s1] =	ssyncadd.s32 $0xFFFFF600  }
0x12a: {  	_ =	swait.ge [sflag:s1], $0xA00  }
0x12b: {  	[sflag:s1] =	ssyncset.done $0x0  }
0x12c: {  	[sflag:s1] =	ssyncadd.s32 $0xFFFFF600  }
0x12d: {  	_ =	swait.ge [sflag:s1], $0xA00  }
0x12e: {  	[sflag:s1] =	ssyncset.done $0x0  }
0x12f: {  	[sflag:s1] =	ssyncadd.s32 $0xFFFFF600  }
0x130: {  	_ =	swait.ge [sflag:s1], $0xA00  }
0x131: {  	[sflag:s1] =	ssyncset.done $0x0  }
0x132: {  	[sflag:s1] =	ssyncadd.s32 $0xFFFFF600  }
0x133: {  	_ =	swait.ge [sflag:s1], $0xA00  }
0x134: {  	[sflag:s1] =	ssyncset.done $0x0  }
0x135: {  	[sflag:s1] =	ssyncadd.s32 $0xFFFFF600  }
0x136: {  	[hbm4b:s14+s2] =	stream.linear.scatter [tilespmem:s13], [sflag:$0x3], $0xA00, $0x38;
	[tilespmem:$0x1C000] =	vst v63  }
0x137: {  	s20 =	sadd.s32 $0x180, s14  }
0x138: {  	[hbm4b:s20+s2] =	stream.linear.scatter [tilespmem:s15], [sflag:$0x3], $0xA00, $0x38;
	[tilespmem:$0x1C000] =	vst v63  }
0x139: {  	s22 =	sadd.s32 $0x300, s14  }
0x13a: {  	[hbm4b:s22+s2] =	stream.linear.scatter [tilespmem:s17], [sflag:$0x3], $0xA00, $0x38;
	[tilespmem:$0x1C000] =	vst v63  }
0x13b: {  	s5 =	sadd.s32 $0x480, s14  }
0x13c: {  	[hbm4b:s5+s2] =	stream.linear.scatter [tilespmem:s19], [sflag:$0x3], $0xA00, $0x38;
	[tilespmem:$0x1C000] =	vst v63  }
0x13d: {  	s6 =	sadd.s32 $0x600, s14  }
0x13e: {  	[hbm4b:s6+s2] =	stream.linear.scatter [tilespmem:s21], [sflag:$0x3], $0xA00, $0x38;
	[tilespmem:$0x1C000] =	vst v63  }
0x13f: {  	s9 =	sadd.s32 $0x780, s14  }
0x140: {  	[hbm4b:s9+s2] =	stream.linear.scatter [tilespmem:s23], [sflag:$0x3], $0xA00, $0x38;
	[tilespmem:$0x1C000] =	vst v63  }
0x141: {  	s11 =	sadd.s32 $0x900, s14;
	s12 =	simm.s32 $0x14800  }
0x142: {  	[hbm4b:s11+s2] =	stream.linear.scatter [tilespmem:s12], [sflag:$0x3], $0xA00, $0x38;
	[tilespmem:$0x1C000] =	vst v63  }
0x143: {  	s18 =	sadd.s32 $0xA80, s14;
	s20 =	simm.s32 $0x15400  }
0x144: {  	[hbm4b:s18+s2] =	stream.linear.scatter [tilespmem:s20], [sflag:$0x3], $0xA00, $0x38;
	[tilespmem:$0x1C000] =	vst v63  }
0x145: {  	p0 =	seq.s32 s16, $0x3E000;
	_ =	swait.ge [sflag:s7], $0x5000  }
0x146: {  	s4 =	sshra.s32 @!p0 s16, $0x2;
	s5 =	simm.s32 @!p0 $0x10000;
	[sflag:s7] =	ssyncset.done $0x0  }
0x147: {  	s6 =	sadd.s32 @!p0 $0x800, s4;
	s9 =	simm.s32 @!p0 $0x14;
	[sflag:s7] =	ssyncadd.s32 $0xFFFFB000  }
0x148: {  	[tilespmem:s5], [sflag:$0x1] =	stream.indirect.gather @!p0 [hbm4b:s3+s9], $0x80, s6, s9, $0xb8;
	[tilespmem:$0x1C000] =	vst v63  }
0x149: {  	s5 =	sadd.s32 @!p0 $0x880, s4;
	s6 =	simm.s32 @!p0 $0x10C00  }
0x14a: {  	[tilespmem:s6], [sflag:$0x1] =	stream.indirect.gather @!p0 [hbm4b:s3+s9], $0x80, s5, s9, $0xb8;
	[tilespmem:$0x1C000] =	vst v63  }
0x14b: {  	s5 =	sadd.s32 @!p0 $0x900, s4;
	s6 =	simm.s32 @!p0 $0x11800  }
0x14c: {  	[tilespmem:s6], [sflag:$0x1] =	stream.indirect.gather @!p0 [hbm4b:s3+s9], $0x80, s5, s9, $0xb8;
	[tilespmem:$0x1C000] =	vst v63  }
0x14d: {  	s5 =	sadd.s32 @!p0 $0x980, s4;
	s6 =	simm.s32 @!p0 $0x12400  }
0x14e: {  	[tilespmem:s6], [sflag:$0x1] =	stream.indirect.gather @!p0 [hbm4b:s3+s9], $0x80, s5, s9, $0xb8;
	[tilespmem:$0x1C000] =	vst v63  }
0x14f: {  	s5 =	sadd.s32 @!p0 $0xA00, s4;
	s6 =	simm.s32 @!p0 $0x13000  }
0x150: {  	[tilespmem:s6], [sflag:$0x1] =	stream.indirect.gather @!p0 [hbm4b:s3+s9], $0x80, s5, s9, $0xb8;
	[tilespmem:$0x1C000] =	vst v63  }
0x151: {  	s5 =	sadd.s32 @!p0 $0xA80, s4;
	s6 =	simm.s32 @!p0 $0x13C00  }
0x152: {  	[tilespmem:s6], [sflag:$0x1] =	stream.indirect.gather @!p0 [hbm4b:s3+s9], $0x80, s5, s9, $0xb8;
	[tilespmem:$0x1C000] =	vst v63  }
0x153: {  	s5 =	sadd.s32 @!p0 $0xB00, s4;
	s6 =	simm.s32 @!p0 $0x14800  }
0x154: {  	[tilespmem:s6], [sflag:$0x1] =	stream.indirect.gather @!p0 [hbm4b:s3+s9], $0x80, s5, s9, $0xb8;
	[tilespmem:$0x1C000] =	vst v63  }
0x155: {  	s4 =	sadd.s32 @!p0 $0xB80, s4;
	s5 =	simm.s32 @!p0 $0x15400  }
0x156: {  	[tilespmem:s5], [sflag:$0x1] =	stream.indirect.gather @!p0 [hbm4b:s3+s9], $0x80, s4, s9, $0xb8;
	[tilespmem:$0x1C000] =	vst v63  }
0x157: {  	_ =	swait.ge [sflag:s10], $0xA00  }
0x158: {  	[sflag:s10] =	ssyncset.done $0x0  }
0x159: {  	[sflag:s10] =	ssyncadd.s32 $0xFFFFF600  }
0x15a: {  	_ =	swait.ge [sflag:s10], $0xA00  }
0x15b: {  	[sflag:s10] =	ssyncset.done $0x0  }
0x15c: {  	[sflag:s10] =	ssyncadd.s32 $0xFFFFF600  }
0x15d: {  	_ =	swait.ge [sflag:s10], $0xA00  }
0x15e: {  	[sflag:s10] =	ssyncset.done $0x0  }
0x15f: {  	[sflag:s10] =	ssyncadd.s32 $0xFFFFF600  }
0x160: {  	_ =	swait.ge [sflag:s10], $0xA00  }
0x161: {  	[sflag:s10] =	ssyncset.done $0x0  }
0x162: {  	[sflag:s10] =	ssyncadd.s32 $0xFFFFF600  }
0x163: {  	_ =	swait.ge [sflag:s10], $0xA00  }
0x164: {  	[sflag:s10] =	ssyncset.done $0x0  }
0x165: {  	[sflag:s10] =	ssyncadd.s32 $0xFFFFF600  }
0x166: {  	_ =	swait.ge [sflag:s10], $0xA00  }
0x167: {  	[sflag:s10] =	ssyncset.done $0x0  }
0x168: {  	[sflag:s10] =	ssyncadd.s32 $0xFFFFF600  }
0x169: {  	_ =	swait.ge [sflag:s10], $0xA00  }
0x16a: {  	[sflag:s10] =	ssyncset.done $0x0  }
0x16b: {  	[sflag:s10] =	ssyncadd.s32 $0xFFFFF600  }
0x16c: {  	_ =	swait.ge [sflag:s10], $0xA00  }
0x16d: {  	[sflag:s10] =	ssyncset.done $0x0  }
0x16e: {  	s22 =	sadd.s32 $0xC00, s14;
	[sflag:s10] =	ssyncadd.s32 $0xFFFFF600  }
0x16f: {  	[hbm4b:s22+s2] =	stream.linear.scatter [tilespmem:s24], [sflag:$0x3], $0xA00, $0x38;
	[tilespmem:$0x1C000] =	vst v63  }
0x170: {  	s5 =	sadd.s32 $0xD80, s14  }
0x171: {  	[hbm4b:s5+s2] =	stream.linear.scatter [tilespmem:s25], [sflag:$0x3], $0xA00, $0x38;
	[tilespmem:$0x1C000] =	vst v63  }
0x172: {  	s6 =	sadd.s32 $0xF00, s14  }
0x173: {  	[hbm4b:s6+s2] =	stream.linear.scatter [tilespmem:s26], [sflag:$0x3], $0xA00, $0x38;
	[tilespmem:$0x1C000] =	vst v63  }
0x174: {  	s9 =	sadd.s32 $0x1080, s14  }
0x175: {  	[hbm4b:s9+s2] =	stream.linear.scatter [tilespmem:s28], [sflag:$0x3], $0xA00, $0x38;
	[tilespmem:$0x1C000] =	vst v63  }
0x176: {  	s11 =	sadd.s32 $0x1200, s14  }
0x177: {  	[hbm4b:s11+s2] =	stream.linear.scatter [tilespmem:s29], [sflag:$0x3], $0xA00, $0x38;
	[tilespmem:$0x1C000] =	vst v63  }
0x178: {  	s12 =	sadd.s32 $0x1380, s14  }
0x179: {  	[hbm4b:s12+s2] =	stream.linear.scatter [tilespmem:s30], [sflag:$0x3], $0xA00, $0x38;
	[tilespmem:$0x1C000] =	vst v63  }
0x17a: {  	s16 =	sadd.s32 $0x1500, s14  }
0x17b: {  	[hbm4b:s16+s2] =	stream.linear.scatter [tilespmem:s31], [sflag:$0x3], $0xA00, $0x38;
	[tilespmem:$0x1C000] =	vst v63  }
0x17c: {  	s18 =	sadd.s32 $0x1680, s14  }
0x17d: {  	[hbm4b:s18+s2] =	stream.linear.scatter [tilespmem:s0], [sflag:$0x3], $0xA00, $0x38;
	[tilespmem:$0x1C000] =	vst v63  }
0x17e: {  	_ =	swait.ge [sflag:s7], $0x5000  }
0x17f: {  	s20 =	rddreg [dreg:$0x6]  }
0x180: {  	s22 =	rddreg [dreg:$0x4];
	s5 =	sadd.s32 $0x1, s20  }
0x181: {  	p0 =	sne.s32 s5, s22  }
.Ltmp1:
0x182: {  	_ = 	snop;
	(pc) =	sbr.rel @p0 .LBB2_1-.Ltmp1, $3  }
0x183: {  	_ =	sdelay $0x1  }
0x184: {  	[sflag:s7] =	ssyncset.done $0x0  }
0x185: {  	[sflag:s7] =	ssyncadd.s32 $0xFFFFB000  }
0x186: {  	_ =	sfence.sel $0x180000  }
0x187: {  	[bflag:$0x0] =	sbarrier.arrive $0xFFFF  }
0x188: {  	_ =	strace $0x90000047  }
0x189: {  	s0 =	stileid.u32;
	[bflag:$0x2] =	sbarrier.arrive $0xFFFF  }
0x18a: {  	p0 =	sne.s32 s0, $0x0;
	s0 =	rddreg [dreg:$0x2]  }
0x18b: {  	s0 =	sadd.s32 @!p0 $0x100000, s0  }
0x18c: {  	[sflag:s0] =	ssyncadd.tile.s32 @!p0 $0x1;
	_ =	shalt  }
.Lfunc_end2:
_tile_overlayer_lowered:
.L_overlay_start_2:
0x18d: {  	(tag) =	ssettag $0x2  }
0x18e: {  	s0 =	rddreg [dreg:$0x0];
	s2 =	stileid.u32  }
0x18f: {  	s1 =	rddreg [dreg:$0x1];
	p0 =	sne.s32 s2, $0x0  }
0x190: {  	s3 =	rddreg [dreg:$0x2];
	[bflag:$0x3] =	sbarrier.arrive $0xFFFF;
	s2 =	simm.s32 @!p0 $0x1C03  }
0x191: {  	[timem:s3], [sflag:s2] =	dma.local @!p0 [hbm:s0], s1  }
0x192: {  	s0 =	simm.s32 @!p0 $0x3  }
0x193: {  	_ =	swait.ge @!p0 [sflag:s0], s1  }
0x194: {  	s1 =	ssub.s32 @!p0 $0x0, s1;
	[sflag:s0] =	ssyncset.done @!p0 $0x0  }
0x195: {  	[sflag:s0] =	ssyncadd.s32 @!p0 s1  }
0x196: {  	[bflag:$0x3] =	sbarrier.arrive $0xFFFF  }
0x197: {  	_ =	shalt  }

</sc_bundles>
